<compile_context>
chip_gen: v7x
topology: tpu7x:2x2x1
jax: 0.10.2.dev20260603
libtpu: 0.0.44.dev20260713+nightly
codegen_flags: <defaults>
</compile_context>

<pallas_src>
import functools

import jax
import jax.numpy as jnp
from jax.experimental import pallas as pl
from jax.experimental.pallas import tpu as pltpu
from jax.experimental.pallas import tpu_sc as plsc

BETA = 0.25
_BM = 128
_CHUNK = 128


def _dist_argmin_body(z_ref, cb_ref, zn_ref, cn_ref, idx_ref, dmin_ref,
                      cbt_ref, rm_ref, rc_ref):
    t = pl.program_id(0)
    num_tiles = pl.num_programs(0) - 1
    n = cbt_ref.shape[1]

    @pl.when(t == 0)
    def _():
        cbt_ref[...] = jnp.transpose((-2.0 * cb_ref[...]).astype(jnp.bfloat16))

    @pl.when(t > 0)
    def _():
        rm = rm_ref[...]
        rc = rc_ref[...]
        fmin = jnp.min(rm, axis=1, keepdims=True)
        lane = jax.lax.broadcasted_iota(jnp.int32, (_BM, _CHUNK), 1)
        gidx = rc * _CHUNK + lane
        big = jnp.int32(2**31 - 1)
        fidx = jnp.min(jnp.where(rm == fmin, gidx, big), axis=1,
                       keepdims=True)
        idx_ref[0, 0, :] = jnp.transpose(fidx).reshape(_BM)
        dmin_ref[0, 0, :] = jnp.transpose(fmin).reshape(_BM)

    @pl.when(t < num_tiles)
    def _():
        lhs = z_ref[pl.ds(t * _BM, _BM), :]
        dot = jax.lax.dot_general(
            lhs, cbt_ref[...],
            dimension_numbers=(((1,), (0,)), ((), ())),
            preferred_element_type=jnp.float32,
        )
        zn = jnp.transpose(zn_ref[pl.ds(t, 1), :])

        def s_chunk(k):
            dk = jax.lax.slice(dot, (0, k * _CHUNK), (_BM, (k + 1) * _CHUNK))
            cnk = jax.lax.slice(cn_ref[...], (0, k * _CHUNK),
                                (1, (k + 1) * _CHUNK))
            return (zn + cnk) + dk

        rm = s_chunk(0)
        rc = jnp.zeros((_BM, _CHUNK), jnp.int32)
        for k in range(1, n // _CHUNK):
            v = s_chunk(k)
            mask = v < rm
            rm = jnp.where(mask, v, rm)
            rc = jnp.where(mask, jnp.int32(k), rc)
        rm_ref[...] = rm
        rc_ref[...] = rc


def _dist_argmin(zf_bf, codebook, zn64, c_norm, interpret=False):
    m = zf_bf.shape[0]
    n = codebook.shape[0]
    num_tiles = m // _BM
    grid = (num_tiles + 1,)
    prev = lambda t: (jnp.maximum(t - 1, 0), 0, 0)
    return pl.pallas_call(
        _dist_argmin_body,
        grid=grid,
        in_specs=[
            pl.BlockSpec(zf_bf.shape, lambda t: (0, 0)),
            pl.BlockSpec(codebook.shape, lambda t: (0, 0)),
            pl.BlockSpec(zn64.shape, lambda t: (0, 0)),
            pl.BlockSpec(c_norm.shape, lambda t: (0, 0)),
        ],
        out_specs=[
            pl.BlockSpec((1, 1, _BM), prev),
            pl.BlockSpec((1, 1, _BM), prev),
        ],
        out_shape=[
            jax.ShapeDtypeStruct((num_tiles, 1, _BM), jnp.int32),
            jax.ShapeDtypeStruct((num_tiles, 1, _BM), jnp.float32),
        ],
        scratch_shapes=[
            pltpu.VMEM((codebook.shape[1], n), jnp.bfloat16),
            pltpu.VMEM((_BM, _CHUNK), jnp.float32),
            pltpu.VMEM((_BM, _CHUNK), jnp.int32),
        ],
        interpret=interpret,
    )(zf_bf, codebook, zn64, c_norm)


_EP_W = 1024


def _st_transpose_body(z_ref, zq_ref, out_ref):
    zf = z_ref[...]
    zq = zq_ref[...]
    out_ref[0] = jnp.transpose(zf + (zq - zf))


def _st_transpose(z_flat, z_q_flat, b, hw, interpret=False):
    c = z_flat.shape[1]
    j_steps = (b * hw) // _EP_W
    per_b = hw // _EP_W
    return pl.pallas_call(
        _st_transpose_body,
        grid=(j_steps,),
        in_specs=[
            pl.BlockSpec((_EP_W, c), lambda t: (t, 0)),
            pl.BlockSpec((_EP_W, c), lambda t: (t, 0)),
        ],
        out_specs=pl.BlockSpec((1, c, _EP_W), lambda t: (t // per_b, 0,
                                                         t % per_b)),
        out_shape=jax.ShapeDtypeStruct((b, c, hw), jnp.float32),
        interpret=interpret,
    )(z_flat, z_q_flat)


_GATHER_W = 128


def _sc_gather(codebook, idx_flat):
    num_idx = idx_flat.shape[0]
    e_dim = codebook.shape[1]
    idx2 = idx_flat.reshape(1, num_idx)
    mesh = plsc.VectorSubcoreMesh(core_axis_name="core",
                                  subcore_axis_name="subcore")

    @functools.partial(
        pl.kernel,
        out_type=jax.ShapeDtypeStruct((num_idx, e_dim), codebook.dtype),
        mesh=mesh,
    )
    def gather_kernel(cb_hbm, i_hbm, o_hbm):
        def body(i_vmem, o_vmem):
            pltpu.sync_copy(cb_hbm.at[i_vmem.at[0]], o_vmem)

        pltpu.emit_pipeline(
            body,
            grid=(num_idx // _GATHER_W,),
            in_specs=[pl.BlockSpec((1, _GATHER_W), index_map=lambda i: (0, i))],
            out_specs=[pl.BlockSpec((_GATHER_W, e_dim),
                                    index_map=lambda i: (i, 0))],
            core_axis_name=("core", "subcore"),
            dimension_semantics=(pltpu.PARALLEL,),
        )(i_hbm, o_hbm)

    return gather_kernel(codebook, idx2)


def kernel(z, codebook):
    b, c, h, w = z.shape
    n_e = codebook.shape[0]
    zt = jnp.transpose(z, (0, 2, 3, 1))
    z_flat = jax.lax.optimization_barrier(zt.reshape(-1, c))
    z_norm = jnp.sum(z_flat ** 2, axis=1, keepdims=True)
    c_norm = jnp.sum(codebook ** 2, axis=1)[None, :]
    zn64 = z_norm.reshape(-1, _BM)

    zf_bf = z_flat.astype(jnp.bfloat16)

    idx3, dmin3 = _dist_argmin(zf_bf, codebook, zn64, c_norm)
    idx_flat = idx3.reshape(-1)

    z_q_flat = _sc_gather(codebook, idx_flat)
    z_q = _st_transpose(z_flat, z_q_flat, b, h * w).reshape(z.shape)

    mean_sq = jnp.sum(dmin3) / (b * h * w * c)
    loss = mean_sq + BETA * mean_sq
    idx = idx_flat.reshape(b, h, w)
    return z_q, loss, idx

# --- scband reference (transcript-rebuilt; emitter-appended) ---
"""Pipeline reference for scband-vector-quantizer-32246614459214 (READ-ONLY COPY).

The authoritative reference and input builder live on the scoring server;
editing this copy changes nothing except your own understanding.
"""

import jax, jax.numpy as jnp
import numpy as np

N_E = 8192
E_DIM = 256
BETA = 0.25

def setup_inputs(seed: int = 0) -> dict:
    key = jax.random.key(seed)
    k1, k2 = jax.random.split(key)
    z = jax.random.normal(k1, (8, E_DIM, 32, 32), dtype=jnp.float32)
    codebook = jax.random.uniform(k2, (N_E, E_DIM), dtype=jnp.float32, minval=-1.0 / N_E, maxval=1.0 / N_E)
    return {"z": z, "codebook": codebook}

def reference(z, codebook):
    # b c h w -> b h w c
    zt = jnp.transpose(z, (0, 2, 3, 1))
    b, h, w, c = zt.shape
    z_flat = zt.reshape(-1, E_DIM)
    # squared L2 distances to each code
    d = (jnp.sum(z_flat ** 2, axis=1, keepdims=True)
         + jnp.sum(codebook ** 2, axis=1)[None, :]
         - 2.0 * jnp.einsum('bd,nd->bn', z_flat, codebook))
    min_encoding_indices = jnp.argmin(d, axis=1)
    z_q = jnp.take(codebook, min_encoding_indices, axis=0).reshape(zt.shape)
    # legacy=True commitment loss
    loss = (jnp.mean((jax.lax.stop_gradient(z_q) - zt) ** 2)
            + BETA * jnp.mean((z_q - jax.lax.stop_gradient(zt)) ** 2))
    # straight-through estimator
    z_q = zt + jax.lax.stop_gradient(z_q - zt)
    # b h w c -> b c h w
    z_q = jnp.transpose(z_q, (0, 3, 1, 2))
    idx = min_encoding_indices.reshape(b, h, w)
    return z_q, loss, idx

if __name__ == "__main__":
    import jax
    _d = setup_inputs()
    print(jax.jit(kernel)(*tuple(_d.values())))

</pallas_src>

<mosaic_0001>
#map = affine_map<(d0, d1) -> (0, 0)>
module attributes {stable_mosaic.version = 14 : i64} {
  func.func @gather_kernel(%arg0: i32, %arg1: i32, %arg2: memref<8192x256xf32, #tpu.memory_space<hbm>>, %arg3: memref<1x8192xi32, #tpu.memory_space<hbm>>, %arg4: memref<8192x256xf32, #tpu.memory_space<hbm>>) attributes {dimension_semantics = [#tpu.dimension_semantics<core_parallel>, #tpu.dimension_semantics<subcore_parallel>], iteration_bounds = array<i64: 2, 16>, scalar_prefetch = 0 : i64, scratch_operands = 0 : i64, tpu.core_type = #tpu.core_type<sc_vector_subcore>, window_params = [{transform_indices = #map}, {transform_indices = #map}, {transform_indices = #map}]} {
    %mul3A = arith.constant 1 : i32
    %mul3A_0 = arith.muli %arg1, %mul3A : i32
    %add3A = arith.constant 0 : i32
    %add3A_1 = arith.addi %add3A, %mul3A_0 : i32
    %mul3A_2 = arith.constant 16 : i32
    %mul3A_3 = arith.muli %arg0, %mul3A_2 : i32
    %add3A_4 = arith.addi %add3A_1, %mul3A_3 : i32
    %mul3A_5 = arith.constant 2 : i32
    %mul3A_6 = arith.muli %add3A_4, %mul3A_5 : i32
    "tpu.region"() ({
      %run_scoped3A = memref.alloca() : memref<2x1x128xi32, #tpu.memory_space<vmem>>
      %run_scoped3A_7 = tpu.sem_alloc : memref<2x!tpu.dma_semaphore, #tpu.memory_space<semaphore_mem>>
      %run_scoped3A_8 = memref.alloca() : memref<2x128x256xf32, #tpu.memory_space<vmem>>
      %run_scoped3A_9 = tpu.sem_alloc : memref<2x!tpu.dma_semaphore, #tpu.memory_space<semaphore_mem>>
      %add3A_10 = arith.constant 0 : i32
      %add3A_11 = arith.addi %add3A_10, %mul3A_6 : i32
      %select_n3A = arith.constant true
      %select_n3A_12 = arith.constant 0 : i32
      %select_n3A_13 = arith.constant -1 : i32
      %select_n3A_14 = arith.select %select_n3A, %select_n3A_13, %select_n3A_12 : i32
      %eq3A = arith.constant -1 : i32
      %eq3A_15 = arith.cmpi eq, %select_n3A_14, %eq3A : i32
      %select_n3A_16 = arith.constant 1 : i32
      %select_n3A_17 = arith.select %eq3A_15, %select_n3A_16, %select_n3A_14 : i32
      %add3A_18 = arith.addi %select_n3A_17, %mul3A_6 : i32
      %select_n3A_19 = arith.constant true
      %select_n3A_20 = arith.constant 0 : i32
      %select_n3A_21 = arith.constant 1 : i32
      %select_n3A_22 = arith.select %select_n3A_19, %select_n3A_21, %select_n3A_20 : i32
      %eq3A_23 = arith.constant 2 : i32
      %eq3A_24 = arith.cmpi eq, %select_n3A_22, %eq3A_23 : i32
      %select_n3A_25 = arith.constant 0 : i32
      %select_n3A_26 = arith.select %eq3A_24, %select_n3A_25, %select_n3A_22 : i32
      %add3A_27 = arith.addi %select_n3A_26, %mul3A_6 : i32
      %add3A_28 = arith.constant 1 : i32
      %add3A_29 = arith.addi %select_n3A_26, %add3A_28 : i32
      %select_n3A_30 = arith.constant true
      %select_n3A_31 = arith.select %select_n3A_30, %add3A_29, %select_n3A_26 : i32
      %eq3A_32 = arith.constant 2 : i32
      %eq3A_33 = arith.cmpi eq, %select_n3A_31, %eq3A_32 : i32
      %select_n3A_34 = arith.constant 0 : i32
      %select_n3A_35 = arith.select %eq3A_33, %select_n3A_34, %select_n3A_31 : i32
      %add3A_36 = arith.addi %select_n3A_35, %mul3A_6 : i32
      "tpu.trace_start"() <{level = 10 : i32, message = "ep_initialize_0"}> : () -> ()
      %rem3A = arith.constant 0 : i32
      %rem3A_37 = arith.constant 2 : i32
      %rem3A_38 = arith.remui %rem3A, %rem3A_37 : i32
      %mul3A_39 = arith.constant 128 : i32
      %mul3A_40 = arith.muli %mul3A_39, %add3A_11 : i32
      %dma_start3A = arith.constant 0 : i32
      %dma_start3A_41 = arith.constant 0 : i32
      %dma_start3A_42 = tpu.memref_slice %run_scoped3A[%rem3A_38, %dma_start3A, %dma_start3A_41] : memref<2x1x128xi32, #tpu.memory_space<vmem>> -> memref<1x1x128xi32, #tpu.memory_space<vmem>>
      %dma_start3A_43 = tpu.memref_squeeze %dma_start3A_42 : memref<1x1x128xi32, #tpu.memory_space<vmem>> -> memref<1x128xi32, #tpu.memory_space<vmem>>
      %dma_start3A_44 = arith.constant 0 : i32
      %dma_start3A_45 = tpu.memref_slice %arg3[%dma_start3A_44, %mul3A_40] : memref<1x8192xi32, #tpu.memory_space<hbm>> -> memref<1x128xi32, #tpu.memory_space<hbm>>
      %dma_start3A_46 = tpu.memref_slice %run_scoped3A_7[%rem3A_38] : memref<2x!tpu.dma_semaphore, #tpu.memory_space<semaphore_mem>> -> memref<1x!tpu.dma_semaphore, #tpu.memory_space<semaphore_mem>>
      %dma_start3A_47 = tpu.memref_squeeze %dma_start3A_46 : memref<1x!tpu.dma_semaphore, #tpu.memory_space<semaphore_mem>> -> memref<!tpu.dma_semaphore, #tpu.memory_space<semaphore_mem>>
      %dma_start3A_48 = arith.constant 0 : i32
      %dma_start3A_49 = arith.constant 0 : i32
      %dma_start3A_50 = tpu.memref_slice %run_scoped3A[%rem3A_38, %dma_start3A_48, %dma_start3A_49] : memref<2x1x128xi32, #tpu.memory_space<vmem>> -> memref<1x1x128xi32, #tpu.memory_space<vmem>>
      %dma_start3A_51 = tpu.memref_squeeze %dma_start3A_50 : memref<1x1x128xi32, #tpu.memory_space<vmem>> -> memref<1x128xi32, #tpu.memory_space<vmem>>
      %dma_start3A_52 = arith.constant 0 : i32
      %dma_start3A_53 = tpu.memref_slice %arg3[%dma_start3A_52, %mul3A_40] : memref<1x8192xi32, #tpu.memory_space<hbm>> -> memref<1x128xi32, #tpu.memory_space<hbm>>
      tpu.enqueue_dma source(%dma_start3A_53 : memref<1x128xi32, #tpu.memory_space<hbm>>) target(%dma_start3A_51 : memref<1x128xi32, #tpu.memory_space<vmem>>) target_semaphore(%dma_start3A_47 : memref<!tpu.dma_semaphore, #tpu.memory_space<semaphore_mem>>)
      %add3A_54 = arith.constant 0 : i32
      %add3A_55 = arith.constant 1 : i32
      %add3A_56 = arith.addi %add3A_54, %add3A_55 : i32
      %select_n3A_57 = arith.constant true
      %select_n3A_58 = arith.constant 0 : i32
      %select_n3A_59 = arith.select %select_n3A_57, %add3A_56, %select_n3A_58 : i32
      "tpu.trace_stop"() : () -> ()
      %scan3A = arith.constant 0 : i32
      %scan3A_60 = arith.constant 0 : i32
      %scan3A_61 = arith.constant 0 : i32
      %scan3A_62 = arith.constant 0 : i32
      %scan3A_63 = arith.constant 0 : i32
      %scan3A_64 = arith.constant 2 : i32
      %scan3A_65 = arith.addi %scan3A_63, %scan3A_64 : i32
      %scan3A_66 = arith.constant 1 : i32
      %scan3A_67:5 = scf.for %scan3A_121 = %scan3A_63 to %scan3A_65 step %scan3A_66 iter_args(%scan3A_122 = %select_n3A_59, %scan3A_123 = %scan3A, %scan3A_124 = %scan3A_60, %scan3A_125 = %scan3A_61, %scan3A_126 = %scan3A_62) -> (i32, i32, i32, i32, i32)  : i32 {
        %eq3A_127 = arith.constant 0 : i32
        %eq3A_128 = arith.cmpi eq, %scan3A_121, %eq3A_127 : i32
        %eq3A_129 = arith.constant 1 : i32
        %eq3A_130 = arith.cmpi eq, %scan3A_121, %eq3A_129 : i32
        %add3A_131 = arith.addi %scan3A_126, %mul3A_6 : i32
        %sub3A_132 = arith.constant 1 : i32
        %sub3A_133 = arith.subi %scan3A_126, %sub3A_132 : i32
        %select_n3A_134 = arith.constant true
        %select_n3A_135 = arith.select %select_n3A_134, %sub3A_133, %scan3A_126 : i32
        %eq3A_136 = arith.constant -1 : i32
        %eq3A_137 = arith.cmpi eq, %select_n3A_135, %eq3A_136 : i32
        %select_n3A_138 = arith.constant 1 : i32
        %select_n3A_139 = arith.select %eq3A_137, %select_n3A_138, %select_n3A_135 : i32
        %add3A_140 = arith.addi %select_n3A_139, %mul3A_6 : i32
        %add3A_141 = arith.constant 1 : i32
        %add3A_142 = arith.addi %scan3A_126, %add3A_141 : i32
        %select_n3A_143 = arith.constant true
        %select_n3A_144 = arith.select %select_n3A_143, %add3A_142, %scan3A_126 : i32
        %eq3A_145 = arith.constant 2 : i32
        %eq3A_146 = arith.cmpi eq, %select_n3A_144, %eq3A_145 : i32
        %select_n3A_147 = arith.constant 0 : i32
        %select_n3A_148 = arith.select %eq3A_146, %select_n3A_147, %select_n3A_144 : i32
        %add3A_149 = arith.addi %select_n3A_148, %mul3A_6 : i32
        %add3A_150 = arith.constant 1 : i32
        %add3A_151 = arith.addi %select_n3A_148, %add3A_150 : i32
        %select_n3A_152 = arith.constant true
        %select_n3A_153 = arith.select %select_n3A_152, %add3A_151, %select_n3A_148 : i32
        %eq3A_154 = arith.constant 2 : i32
        %eq3A_155 = arith.cmpi eq, %select_n3A_153, %eq3A_154 : i32
        %select_n3A_156 = arith.constant 0 : i32
        %select_n3A_157 = arith.select %eq3A_155, %select_n3A_156, %select_n3A_153 : i32
        %add3A_158 = arith.addi %select_n3A_157, %mul3A_6 : i32
        %ne3A = arith.cmpi ne, %add3A_131, %add3A_149 : i32
        %or3A = arith.constant false
        %or3A_159 = arith.ori %or3A, %ne3A : i1
        %ge3A = arith.constant 1 : i32
        %ge3A_160 = arith.cmpi sge, %scan3A_121, %ge3A : i32
        %not3A = arith.constant true
        %not3A_161 = arith.xori %ge3A_160, %not3A : i1
        %and3A = arith.andi %or3A_159, %not3A_161 : i1
        %convert_element_type3A = arith.extui %and3A : i1 to i32
        %cond3A = arith.constant 0 : i32
        %cond3A_162 = arith.cmpi ne, %convert_element_type3A, %cond3A : i32
        scf.if %cond3A_162 {
          "tpu.trace_start"() <{level = 10 : i32, message = "ep_copy_in"}> : () -> ()
          %rem3A_264 = arith.constant 2 : i32
          %rem3A_265 = arith.remui %scan3A_122, %rem3A_264 : i32
          %mul3A_266 = arith.constant 128 : i32
          %mul3A_267 = arith.muli %mul3A_266, %add3A_149 : i32
          %dma_start3A_268 = arith.constant 0 : i32
          %dma_start3A_269 = arith.constant 0 : i32
          %dma_start3A_270 = tpu.memref_slice %run_scoped3A[%rem3A_265, %dma_start3A_268, %dma_start3A_269] : memref<2x1x128xi32, #tpu.memory_space<vmem>> -> memref<1x1x128xi32, #tpu.memory_space<vmem>>
          %dma_start3A_271 = tpu.memref_squeeze %dma_start3A_270 : memref<1x1x128xi32, #tpu.memory_space<vmem>> -> memref<1x128xi32, #tpu.memory_space<vmem>>
          %dma_start3A_272 = arith.constant 0 : i32
          %dma_start3A_273 = tpu.memref_slice %arg3[%dma_start3A_272, %mul3A_267] : memref<1x8192xi32, #tpu.memory_space<hbm>> -> memref<1x128xi32, #tpu.memory_space<hbm>>
          %dma_start3A_274 = tpu.memref_slice %run_scoped3A_7[%rem3A_265] : memref<2x!tpu.dma_semaphore, #tpu.memory_space<semaphore_mem>> -> memref<1x!tpu.dma_semaphore, #tpu.memory_space<semaphore_mem>>
          %dma_start3A_275 = tpu.memref_squeeze %dma_start3A_274 : memref<1x!tpu.dma_semaphore, #tpu.memory_space<semaphore_mem>> -> memref<!tpu.dma_semaphore, #tpu.memory_space<semaphore_mem>>
          %dma_start3A_276 = arith.constant 0 : i32
          %dma_start3A_277 = arith.constant 0 : i32
          %dma_start3A_278 = tpu.memref_slice %run_scoped3A[%rem3A_265, %dma_start3A_276, %dma_start3A_277] : memref<2x1x128xi32, #tpu.memory_space<vmem>> -> memref<1x1x128xi32, #tpu.memory_space<vmem>>
          %dma_start3A_279 = tpu.memref_squeeze %dma_start3A_278 : memref<1x1x128xi32, #tpu.memory_space<vmem>> -> memref<1x128xi32, #tpu.memory_space<vmem>>
          %dma_start3A_280 = arith.constant 0 : i32
          %dma_start3A_281 = tpu.memref_slice %arg3[%dma_start3A_280, %mul3A_267] : memref<1x8192xi32, #tpu.memory_space<hbm>> -> memref<1x128xi32, #tpu.memory_space<hbm>>
          tpu.enqueue_dma source(%dma_start3A_281 : memref<1x128xi32, #tpu.memory_space<hbm>>) target(%dma_start3A_279 : memref<1x128xi32, #tpu.memory_space<vmem>>) target_semaphore(%dma_start3A_275 : memref<!tpu.dma_semaphore, #tpu.memory_space<semaphore_mem>>)
          "tpu.trace_stop"() : () -> ()
        } else {
        }
        %and3A_163 = arith.constant true
        %and3A_164 = arith.andi %and3A, %and3A_163 : i1
        %add3A_165 = arith.constant 1 : i32
        %add3A_166 = arith.addi %scan3A_122, %add3A_165 : i32
        %select_n3A_167 = arith.select %and3A_164, %add3A_166, %scan3A_122 : i32
        %ne3A_168 = arith.cmpi ne, %add3A_131, %add3A_149 : i32
        %or3A_169 = arith.constant false
        %or3A_170 = arith.ori %or3A_169, %ne3A_168 : i1
        %or3A_171 = arith.constant false
        %or3A_172 = arith.ori %or3A_170, %or3A_171 : i1
        %ge3A_173 = arith.constant 1 : i32
        %ge3A_174 = arith.cmpi sge, %scan3A_121, %ge3A_173 : i32
        %not3A_175 = arith.constant true
        %not3A_176 = arith.xori %ge3A_174, %not3A_175 : i1
        %and3A_177 = arith.andi %or3A_172, %not3A_176 : i1
        %ne3A_178 = arith.cmpi ne, %add3A_131, %add3A_140 : i32
        %or3A_179 = arith.constant false
        %or3A_180 = arith.ori %or3A_179, %ne3A_178 : i1
        %or3A_181 = arith.ori %or3A_180, %eq3A_128 : i1
        %convert_element_type3A_182 = arith.extui %or3A_181 : i1 to i32
        %cond3A_183 = arith.constant 0 : i32
        %cond3A_184 = arith.cmpi ne, %convert_element_type3A_182, %cond3A_183 : i32
        scf.if %cond3A_184 {
          "tpu.trace_start"() <{level = 10 : i32, message = "ep_wait_in"}> : () -> ()
          %mul3A_264 = arith.constant 128 : i32
          %mul3A_265 = arith.muli %mul3A_264, %add3A_131 : i32
          %rem3A_266 = arith.constant 2 : i32
          %rem3A_267 = arith.remui %scan3A_123, %rem3A_266 : i32
          %dma_wait3A_268 = arith.constant 0 : i32
          %dma_wait3A_269 = arith.constant 0 : i32
          %dma_wait3A_270 = tpu.memref_slice %run_scoped3A[%rem3A_267, %dma_wait3A_268, %dma_wait3A_269] : memref<2x1x128xi32, #tpu.memory_space<vmem>> -> memref<1x1x128xi32, #tpu.memory_space<vmem>>
          %dma_wait3A_271 = tpu.memref_squeeze %dma_wait3A_270 : memref<1x1x128xi32, #tpu.memory_space<vmem>> -> memref<1x128xi32, #tpu.memory_space<vmem>>
          %dma_wait3A_272 = arith.constant 0 : i32
          %dma_wait3A_273 = tpu.memref_slice %arg3[%dma_wait3A_272, %mul3A_265] : memref<1x8192xi32, #tpu.memory_space<hbm>> -> memref<1x128xi32, #tpu.memory_space<hbm>>
          %dma_wait3A_274 = tpu.memref_slice %run_scoped3A_7[%rem3A_267] : memref<2x!tpu.dma_semaphore, #tpu.memory_space<semaphore_mem>> -> memref<1x!tpu.dma_semaphore, #tpu.memory_space<semaphore_mem>>
          %dma_wait3A_275 = tpu.memref_squeeze %dma_wait3A_274 : memref<1x!tpu.dma_semaphore, #tpu.memory_space<semaphore_mem>> -> memref<!tpu.dma_semaphore, #tpu.memory_space<semaphore_mem>>
          %dma_wait3A_276 = arith.constant 0 : i32
          %dma_wait3A_277 = arith.constant 0 : i32
          %dma_wait3A_278 = tpu.memref_slice %run_scoped3A[%rem3A_267, %dma_wait3A_276, %dma_wait3A_277] : memref<2x1x128xi32, #tpu.memory_space<vmem>> -> memref<1x1x128xi32, #tpu.memory_space<vmem>>
          %dma_wait3A_279 = tpu.memref_squeeze %dma_wait3A_278 : memref<1x1x128xi32, #tpu.memory_space<vmem>> -> memref<1x128xi32, #tpu.memory_space<vmem>>
          %dma_wait3A_280 = arith.constant 0 : i32
          %dma_wait3A_281 = tpu.memref_slice %arg3[%dma_wait3A_280, %mul3A_265] : memref<1x8192xi32, #tpu.memory_space<hbm>> -> memref<1x128xi32, #tpu.memory_space<hbm>>
          tpu.wait_dma2 semaphore(%dma_wait3A_275 : memref<!tpu.dma_semaphore, #tpu.memory_space<semaphore_mem>>) src(%dma_wait3A_281 : memref<1x128xi32, #tpu.memory_space<hbm>>) dst(%dma_wait3A_279 : memref<1x128xi32, #tpu.memory_space<vmem>>)
          "tpu.trace_stop"() : () -> ()
        } else {
        }
        %ne3A_185 = arith.cmpi ne, %add3A_131, %add3A_140 : i32
        %or3A_186 = arith.constant false
        %or3A_187 = arith.ori %or3A_186, %ne3A_185 : i1
        %or3A_188 = arith.constant false
        %or3A_189 = arith.ori %or3A_187, %or3A_188 : i1
        %or3A_190 = arith.ori %or3A_189, %eq3A_128 : i1
        %convert_element_type3A_191 = arith.extui %or3A_190 : i1 to i32
        %cond3A_192 = arith.constant 0 : i32
        %cond3A_193 = arith.cmpi ne, %convert_element_type3A_191, %cond3A_192 : i32
        scf.if %cond3A_193 {
        } else {
        }
        %rem3A_194 = arith.constant 2 : i32
        %rem3A_195 = arith.remui %scan3A_123, %rem3A_194 : i32
        %rem3A_196 = arith.constant 2 : i32
        %rem3A_197 = arith.remui %scan3A_124, %rem3A_196 : i32
        %run_scoped3A_198 = arith.constant 0 : i32
        "tpu.trace_start"() <{level = 10 : i32, message = "ep_run_kernel"}> : () -> ()
        "tpu.region"() ({
          %run_scoped3A_264 = tpu.sem_alloc : memref<!tpu.dma_semaphore, #tpu.memory_space<semaphore_mem>>
          %dma_start3A_265 = arith.constant 0 : i32
          %dma_start3A_266 = arith.constant 0 : i32
          %dma_start3A_267 = tpu.memref_slice %run_scoped3A_8[%rem3A_197, %dma_start3A_265, %dma_start3A_266] : memref<2x128x256xf32, #tpu.memory_space<vmem>> -> memref<1x128x256xf32, #tpu.memory_space<vmem>>
          %dma_start3A_268 = tpu.memref_squeeze %dma_start3A_267 : memref<1x128x256xf32, #tpu.memory_space<vmem>> -> memref<128x256xf32, #tpu.memory_space<vmem>>
          %dma_start3A_269 = arith.constant 0 : i32
          %dma_start3A_270 = arith.constant 0 : i32
          %dma_start3A_271 = tpu.memref_slice %run_scoped3A[%rem3A_195, %dma_start3A_269, %dma_start3A_270] : memref<2x1x128xi32, #tpu.memory_space<vmem>> -> memref<1x1x128xi32, #tpu.memory_space<vmem>>
          %dma_start3A_272 = tpu.memref_squeeze %dma_start3A_271 : memref<1x1x128xi32, #tpu.memory_space<vmem>> -> memref<1x128xi32, #tpu.memory_space<vmem>>
          %dma_start3A_273 = arith.constant 0 : i32
          %dma_start3A_274 = tpu.memref_slice %dma_start3A_272[%run_scoped3A_198, %dma_start3A_273] : memref<1x128xi32, #tpu.memory_space<vmem>> -> memref<1x128xi32, #tpu.memory_space<vmem>>
          %dma_start3A_275 = tpu.memref_squeeze %dma_start3A_274 : memref<1x128xi32, #tpu.memory_space<vmem>> -> memref<128xi32, #tpu.memory_space<vmem>>
          %dma_start3A_276 = arith.constant 0 : i32
          %dma_start3A_277 = arith.constant 0 : i32
          %dma_start3A_278 = tpu.memref_slice %arg2[%dma_start3A_276, %dma_start3A_277] : memref<8192x256xf32, #tpu.memory_space<hbm>> -> memref<8192x256xf32, #tpu.memory_space<hbm>>
          tpu.enqueue_indirect_dma source(%dma_start3A_278 : memref<8192x256xf32, #tpu.memory_space<hbm>>) target(%dma_start3A_268 : memref<128x256xf32, #tpu.memory_space<vmem>>) offsets(%dma_start3A_275 : memref<128xi32, #tpu.memory_space<vmem>>) semaphore(%run_scoped3A_264 : memref<!tpu.dma_semaphore, #tpu.memory_space<semaphore_mem>>)
          %dma_wait3A_279 = arith.constant 0 : i32
          %dma_wait3A_280 = arith.constant 0 : i32
          %dma_wait3A_281 = tpu.memref_slice %run_scoped3A_8[%rem3A_197, %dma_wait3A_279, %dma_wait3A_280] : memref<2x128x256xf32, #tpu.memory_space<vmem>> -> memref<1x128x256xf32, #tpu.memory_space<vmem>>
          %dma_wait3A_282 = tpu.memref_squeeze %dma_wait3A_281 : memref<1x128x256xf32, #tpu.memory_space<vmem>> -> memref<128x256xf32, #tpu.memory_space<vmem>>
          %dma_wait3A_283 = arith.constant 0 : i32
          %dma_wait3A_284 = arith.constant 0 : i32
          %dma_wait3A_285 = tpu.memref_slice %run_scoped3A[%rem3A_195, %dma_wait3A_283, %dma_wait3A_284] : memref<2x1x128xi32, #tpu.memory_space<vmem>> -> memref<1x1x128xi32, #tpu.memory_space<vmem>>
          %dma_wait3A_286 = tpu.memref_squeeze %dma_wait3A_285 : memref<1x1x128xi32, #tpu.memory_space<vmem>> -> memref<1x128xi32, #tpu.memory_space<vmem>>
          %dma_wait3A_287 = arith.constant 0 : i32
          %dma_wait3A_288 = tpu.memref_slice %dma_wait3A_286[%run_scoped3A_198, %dma_wait3A_287] : memref<1x128xi32, #tpu.memory_space<vmem>> -> memref<1x128xi32, #tpu.memory_space<vmem>>
          %dma_wait3A_289 = tpu.memref_squeeze %dma_wait3A_288 : memref<1x128xi32, #tpu.memory_space<vmem>> -> memref<128xi32, #tpu.memory_space<vmem>>
          %dma_wait3A_290 = arith.constant 0 : i32
          %dma_wait3A_291 = arith.constant 0 : i32
          %dma_wait3A_292 = tpu.memref_slice %arg2[%dma_wait3A_290, %dma_wait3A_291] : memref<8192x256xf32, #tpu.memory_space<hbm>> -> memref<8192x256xf32, #tpu.memory_space<hbm>>
          tpu.wait_indirect_dma semaphore(%run_scoped3A_264 : memref<!tpu.dma_semaphore, #tpu.memory_space<semaphore_mem>>) src(%dma_wait3A_292 : memref<8192x256xf32, #tpu.memory_space<hbm>>) dst(%dma_wait3A_282 : memref<128x256xf32, #tpu.memory_space<vmem>>)
          tpu.yield
        }) : () -> ()
        "tpu.trace_stop"() : () -> ()
        %ne3A_199 = arith.cmpi ne, %add3A_131, %add3A_149 : i32
        %or3A_200 = arith.constant false
        %or3A_201 = arith.ori %or3A_200, %ne3A_199 : i1
        %or3A_202 = arith.ori %or3A_201, %eq3A_130 : i1
        %convert_element_type3A_203 = arith.extui %or3A_202 : i1 to i32
        %cond3A_204 = arith.constant 0 : i32
        %cond3A_205 = arith.cmpi ne, %convert_element_type3A_203, %cond3A_204 : i32
        scf.if %cond3A_205 {
        } else {
        }
        %and3A_206 = arith.constant false
        %and3A_207 = arith.andi %or3A_202, %and3A_206 : i1
        %ne3A_208 = arith.cmpi ne, %add3A_131, %add3A_149 : i32
        %or3A_209 = arith.constant false
        %or3A_210 = arith.ori %or3A_209, %ne3A_208 : i1
        %or3A_211 = arith.constant false
        %or3A_212 = arith.ori %or3A_210, %or3A_211 : i1
        %or3A_213 = arith.ori %or3A_212, %eq3A_130 : i1
        %convert_element_type3A_214 = arith.extui %or3A_213 : i1 to i32
        %cond3A_215 = arith.constant 0 : i32
        %cond3A_216 = arith.cmpi ne, %convert_element_type3A_214, %cond3A_215 : i32
        scf.if %cond3A_216 {
          "tpu.trace_start"() <{level = 10 : i32, message = "ep_copy_out"}> : () -> ()
          %rem3A_264 = arith.constant 2 : i32
          %rem3A_265 = arith.remui %scan3A_124, %rem3A_264 : i32
          %mul3A_266 = arith.constant 128 : i32
          %mul3A_267 = arith.muli %mul3A_266, %add3A_131 : i32
          %dma_start3A_268 = arith.constant 0 : i32
          %dma_start3A_269 = arith.constant 0 : i32
          %dma_start3A_270 = tpu.memref_slice %run_scoped3A_8[%rem3A_265, %dma_start3A_268, %dma_start3A_269] : memref<2x128x256xf32, #tpu.memory_space<vmem>> -> memref<1x128x256xf32, #tpu.memory_space<vmem>>
          %dma_start3A_271 = tpu.memref_squeeze %dma_start3A_270 : memref<1x128x256xf32, #tpu.memory_space<vmem>> -> memref<128x256xf32, #tpu.memory_space<vmem>>
          %dma_start3A_272 = arith.constant 0 : i32
          %dma_start3A_273 = tpu.memref_slice %arg4[%mul3A_267, %dma_start3A_272] : memref<8192x256xf32, #tpu.memory_space<hbm>> -> memref<128x256xf32, #tpu.memory_space<hbm>>
          %dma_start3A_274 = tpu.memref_slice %run_scoped3A_9[%rem3A_265] : memref<2x!tpu.dma_semaphore, #tpu.memory_space<semaphore_mem>> -> memref<1x!tpu.dma_semaphore, #tpu.memory_space<semaphore_mem>>
          %dma_start3A_275 = tpu.memref_squeeze %dma_start3A_274 : memref<1x!tpu.dma_semaphore, #tpu.memory_space<semaphore_mem>> -> memref<!tpu.dma_semaphore, #tpu.memory_space<semaphore_mem>>
          %dma_start3A_276 = arith.constant 0 : i32
          %dma_start3A_277 = tpu.memref_slice %arg4[%mul3A_267, %dma_start3A_276] : memref<8192x256xf32, #tpu.memory_space<hbm>> -> memref<128x256xf32, #tpu.memory_space<hbm>>
          %dma_start3A_278 = arith.constant 0 : i32
          %dma_start3A_279 = arith.constant 0 : i32
          %dma_start3A_280 = tpu.memref_slice %run_scoped3A_8[%rem3A_265, %dma_start3A_278, %dma_start3A_279] : memref<2x128x256xf32, #tpu.memory_space<vmem>> -> memref<1x128x256xf32, #tpu.memory_space<vmem>>
          %dma_start3A_281 = tpu.memref_squeeze %dma_start3A_280 : memref<1x128x256xf32, #tpu.memory_space<vmem>> -> memref<128x256xf32, #tpu.memory_space<vmem>>
          tpu.enqueue_dma source(%dma_start3A_281 : memref<128x256xf32, #tpu.memory_space<vmem>>) target(%dma_start3A_277 : memref<128x256xf32, #tpu.memory_space<hbm>>) target_semaphore(%dma_start3A_275 : memref<!tpu.dma_semaphore, #tpu.memory_space<semaphore_mem>>)
          "tpu.trace_stop"() : () -> ()
        } else {
        }
        %and3A_217 = arith.constant true
        %and3A_218 = arith.andi %or3A_213, %and3A_217 : i1
        %add3A_219 = arith.constant 1 : i32
        %add3A_220 = arith.addi %scan3A_124, %add3A_219 : i32
        %select_n3A_221 = arith.select %and3A_218, %add3A_220, %scan3A_124 : i32
        %ne3A_222 = arith.cmpi ne, %add3A_131, %add3A_140 : i32
        %or3A_223 = arith.constant false
        %or3A_224 = arith.ori %or3A_223, %ne3A_222 : i1
        %not3A_225 = arith.constant true
        %not3A_226 = arith.xori %eq3A_128, %not3A_225 : i1
        %and3A_227 = arith.andi %or3A_224, %not3A_226 : i1
        %convert_element_type3A_228 = arith.extui %and3A_227 : i1 to i32
        %cond3A_229 = arith.constant 0 : i32
        %cond3A_230 = arith.cmpi ne, %convert_element_type3A_228, %cond3A_229 : i32
        scf.if %cond3A_230 {
        } else {
        }
        %and3A_231 = arith.constant false
        %and3A_232 = arith.andi %and3A_227, %and3A_231 : i1
        %ne3A_233 = arith.cmpi ne, %add3A_131, %add3A_140 : i32
        %or3A_234 = arith.constant false
        %or3A_235 = arith.ori %or3A_234, %ne3A_233 : i1
        %or3A_236 = arith.constant false
        %or3A_237 = arith.ori %or3A_235, %or3A_236 : i1
        %not3A_238 = arith.constant true
        %not3A_239 = arith.xori %eq3A_128, %not3A_238 : i1
        %and3A_240 = arith.andi %or3A_237, %not3A_239 : i1
        %convert_element_type3A_241 = arith.extui %and3A_240 : i1 to i32
        %cond3A_242 = arith.constant 0 : i32
        %cond3A_243 = arith.cmpi ne, %convert_element_type3A_241, %cond3A_242 : i32
        scf.if %cond3A_243 {
          "tpu.trace_start"() <{level = 10 : i32, message = "ep_wait_out"}> : () -> ()
          %rem3A_264 = arith.constant 2 : i32
          %rem3A_265 = arith.remui %scan3A_125, %rem3A_264 : i32
          %mul3A_266 = arith.constant 128 : i32
          %mul3A_267 = arith.muli %mul3A_266, %add3A_140 : i32
          %dma_wait3A_268 = arith.constant 0 : i32
          %dma_wait3A_269 = arith.constant 0 : i32
          %dma_wait3A_270 = tpu.memref_slice %run_scoped3A_8[%rem3A_265, %dma_wait3A_268, %dma_wait3A_269] : memref<2x128x256xf32, #tpu.memory_space<vmem>> -> memref<1x128x256xf32, #tpu.memory_space<vmem>>
          %dma_wait3A_271 = tpu.memref_squeeze %dma_wait3A_270 : memref<1x128x256xf32, #tpu.memory_space<vmem>> -> memref<128x256xf32, #tpu.memory_space<vmem>>
          %dma_wait3A_272 = arith.constant 0 : i32
          %dma_wait3A_273 = tpu.memref_slice %arg4[%mul3A_267, %dma_wait3A_272] : memref<8192x256xf32, #tpu.memory_space<hbm>> -> memref<128x256xf32, #tpu.memory_space<hbm>>
          %dma_wait3A_274 = tpu.memref_slice %run_scoped3A_9[%rem3A_265] : memref<2x!tpu.dma_semaphore, #tpu.memory_space<semaphore_mem>> -> memref<1x!tpu.dma_semaphore, #tpu.memory_space<semaphore_mem>>
          %dma_wait3A_275 = tpu.memref_squeeze %dma_wait3A_274 : memref<1x!tpu.dma_semaphore, #tpu.memory_space<semaphore_mem>> -> memref<!tpu.dma_semaphore, #tpu.memory_space<semaphore_mem>>
          %dma_wait3A_276 = arith.constant 0 : i32
          %dma_wait3A_277 = tpu.memref_slice %arg4[%mul3A_267, %dma_wait3A_276] : memref<8192x256xf32, #tpu.memory_space<hbm>> -> memref<128x256xf32, #tpu.memory_space<hbm>>
          %dma_wait3A_278 = arith.constant 0 : i32
          %dma_wait3A_279 = arith.constant 0 : i32
          %dma_wait3A_280 = tpu.memref_slice %run_scoped3A_8[%rem3A_265, %dma_wait3A_278, %dma_wait3A_279] : memref<2x128x256xf32, #tpu.memory_space<vmem>> -> memref<1x128x256xf32, #tpu.memory_space<vmem>>
          %dma_wait3A_281 = tpu.memref_squeeze %dma_wait3A_280 : memref<1x128x256xf32, #tpu.memory_space<vmem>> -> memref<128x256xf32, #tpu.memory_space<vmem>>
          tpu.wait_dma2 semaphore(%dma_wait3A_275 : memref<!tpu.dma_semaphore, #tpu.memory_space<semaphore_mem>>) src(%dma_wait3A_281 : memref<128x256xf32, #tpu.memory_space<vmem>>) dst(%dma_wait3A_277 : memref<128x256xf32, #tpu.memory_space<hbm>>)
          "tpu.trace_stop"() : () -> ()
        } else {
        }
        %and3A_244 = arith.constant true
        %and3A_245 = arith.andi %and3A_240, %and3A_244 : i1
        %add3A_246 = arith.constant 1 : i32
        %add3A_247 = arith.addi %scan3A_125, %add3A_246 : i32
        %select_n3A_248 = arith.select %and3A_245, %add3A_247, %scan3A_125 : i32
        %ne3A_249 = arith.cmpi ne, %add3A_131, %add3A_149 : i32
        %or3A_250 = arith.constant false
        %or3A_251 = arith.ori %or3A_250, %ne3A_249 : i1
        %or3A_252 = arith.ori %or3A_251, %eq3A_130 : i1
        %add3A_253 = arith.constant 1 : i32
        %add3A_254 = arith.addi %scan3A_123, %add3A_253 : i32
        %select_n3A_255 = arith.select %or3A_252, %add3A_254, %scan3A_123 : i32
        %add3A_256 = arith.constant 1 : i32
        %add3A_257 = arith.addi %scan3A_126, %add3A_256 : i32
        %select_n3A_258 = arith.constant true
        %select_n3A_259 = arith.select %select_n3A_258, %add3A_257, %scan3A_126 : i32
        %eq3A_260 = arith.constant 2 : i32
        %eq3A_261 = arith.cmpi eq, %select_n3A_259, %eq3A_260 : i32
        %select_n3A_262 = arith.constant 0 : i32
        %select_n3A_263 = arith.select %eq3A_261, %select_n3A_262, %select_n3A_259 : i32
        scf.yield %select_n3A_167, %select_n3A_255, %select_n3A_221, %select_n3A_248, %select_n3A_263 : i32, i32, i32, i32, i32
      }
      %scan3A_68 = arith.constant 2 : i32
      %sub3A = arith.constant 1 : i32
      %sub3A_69 = arith.subi %scan3A_67#4, %sub3A : i32
      %select_n3A_70 = arith.constant true
      %select_n3A_71 = arith.select %select_n3A_70, %sub3A_69, %scan3A_67#4 : i32
      %eq3A_72 = arith.constant -1 : i32
      %eq3A_73 = arith.cmpi eq, %select_n3A_71, %eq3A_72 : i32
      %select_n3A_74 = arith.constant 1 : i32
      %select_n3A_75 = arith.select %eq3A_73, %select_n3A_74, %select_n3A_71 : i32
      %add3A_76 = arith.addi %select_n3A_75, %mul3A_6 : i32
      %sub3A_77 = arith.constant 1 : i32
      %sub3A_78 = arith.subi %select_n3A_75, %sub3A_77 : i32
      %select_n3A_79 = arith.constant true
      %select_n3A_80 = arith.select %select_n3A_79, %sub3A_78, %select_n3A_75 : i32
      %eq3A_81 = arith.constant -1 : i32
      %eq3A_82 = arith.cmpi eq, %select_n3A_80, %eq3A_81 : i32
      %select_n3A_83 = arith.constant 1 : i32
      %select_n3A_84 = arith.select %eq3A_82, %select_n3A_83, %select_n3A_80 : i32
      %add3A_85 = arith.addi %select_n3A_84, %mul3A_6 : i32
      %add3A_86 = arith.constant 1 : i32
      %add3A_87 = arith.addi %select_n3A_75, %add3A_86 : i32
      %select_n3A_88 = arith.constant true
      %select_n3A_89 = arith.select %select_n3A_88, %add3A_87, %select_n3A_75 : i32
      %eq3A_90 = arith.constant 2 : i32
      %eq3A_91 = arith.cmpi eq, %select_n3A_89, %eq3A_90 : i32
      %select_n3A_92 = arith.constant 0 : i32
      %select_n3A_93 = arith.select %eq3A_91, %select_n3A_92, %select_n3A_89 : i32
      %add3A_94 = arith.addi %select_n3A_93, %mul3A_6 : i32
      %add3A_95 = arith.constant 1 : i32
      %add3A_96 = arith.addi %select_n3A_93, %add3A_95 : i32
      %select_n3A_97 = arith.constant true
      %select_n3A_98 = arith.select %select_n3A_97, %add3A_96, %select_n3A_93 : i32
      %eq3A_99 = arith.constant 2 : i32
      %eq3A_100 = arith.cmpi eq, %select_n3A_98, %eq3A_99 : i32
      %select_n3A_101 = arith.constant 0 : i32
      %select_n3A_102 = arith.select %eq3A_100, %select_n3A_101, %select_n3A_98 : i32
      %add3A_103 = arith.addi %select_n3A_102, %mul3A_6 : i32
      "tpu.trace_start"() <{level = 10 : i32, message = "ep_finalize"}> : () -> ()
      %rem3A_104 = arith.constant 2 : i32
      %rem3A_105 = arith.remui %scan3A_67#3, %rem3A_104 : i32
      %mul3A_106 = arith.constant 128 : i32
      %mul3A_107 = arith.muli %mul3A_106, %add3A_76 : i32
      %dma_wait3A = arith.constant 0 : i32
      %dma_wait3A_108 = arith.constant 0 : i32
      %dma_wait3A_109 = tpu.memref_slice %run_scoped3A_8[%rem3A_105, %dma_wait3A, %dma_wait3A_108] : memref<2x128x256xf32, #tpu.memory_space<vmem>> -> memref<1x128x256xf32, #tpu.memory_space<vmem>>
      %dma_wait3A_110 = tpu.memref_squeeze %dma_wait3A_109 : memref<1x128x256xf32, #tpu.memory_space<vmem>> -> memref<128x256xf32, #tpu.memory_space<vmem>>
      %dma_wait3A_111 = arith.constant 0 : i32
      %dma_wait3A_112 = tpu.memref_slice %arg4[%mul3A_107, %dma_wait3A_111] : memref<8192x256xf32, #tpu.memory_space<hbm>> -> memref<128x256xf32, #tpu.memory_space<hbm>>
      %dma_wait3A_113 = tpu.memref_slice %run_scoped3A_9[%rem3A_105] : memref<2x!tpu.dma_semaphore, #tpu.memory_space<semaphore_mem>> -> memref<1x!tpu.dma_semaphore, #tpu.memory_space<semaphore_mem>>
      %dma_wait3A_114 = tpu.memref_squeeze %dma_wait3A_113 : memref<1x!tpu.dma_semaphore, #tpu.memory_space<semaphore_mem>> -> memref<!tpu.dma_semaphore, #tpu.memory_space<semaphore_mem>>
      %dma_wait3A_115 = arith.constant 0 : i32
      %dma_wait3A_116 = tpu.memref_slice %arg4[%mul3A_107, %dma_wait3A_115] : memref<8192x256xf32, #tpu.memory_space<hbm>> -> memref<128x256xf32, #tpu.memory_space<hbm>>
      %dma_wait3A_117 = arith.constant 0 : i32
      %dma_wait3A_118 = arith.constant 0 : i32
      %dma_wait3A_119 = tpu.memref_slice %run_scoped3A_8[%rem3A_105, %dma_wait3A_117, %dma_wait3A_118] : memref<2x128x256xf32, #tpu.memory_space<vmem>> -> memref<1x128x256xf32, #tpu.memory_space<vmem>>
      %dma_wait3A_120 = tpu.memref_squeeze %dma_wait3A_119 : memref<1x128x256xf32, #tpu.memory_space<vmem>> -> memref<128x256xf32, #tpu.memory_space<vmem>>
      tpu.wait_dma2 semaphore(%dma_wait3A_114 : memref<!tpu.dma_semaphore, #tpu.memory_space<semaphore_mem>>) src(%dma_wait3A_120 : memref<128x256xf32, #tpu.memory_space<vmem>>) dst(%dma_wait3A_116 : memref<128x256xf32, #tpu.memory_space<hbm>>)
      "tpu.trace_stop"() : () -> ()
      tpu.yield
    }) : () -> ()
    return
  }
}

module attributes {stable_mosaic.version = 14 : i64} {
  func.func @_dist_argmin_body(%arg0: i32, %arg1: memref<8192x256xbf16, #tpu.memory_space<vmem>>, %arg2: memref<8192x256xf32, #tpu.memory_space<vmem>>, %arg3: memref<64x128xf32, #tpu.memory_space<vmem>>, %arg4: memref<1x8192xf32, #tpu.memory_space<vmem>>, %arg5: memref<1x1x128xi32, #tpu.memory_space<vmem>>, %arg6: memref<1x1x128xf32, #tpu.memory_space<vmem>>, %arg7: memref<256x8192xbf16, #tpu.memory_space<vmem>>, %arg8: memref<128x128xf32, #tpu.memory_space<vmem>>, %arg9: memref<128x128xi32, #tpu.memory_space<vmem>>) attributes {dimension_semantics = [#tpu.dimension_semantics<arbitrary>], iteration_bounds = array<i64: 65>, scalar_prefetch = 0 : i64, scratch_operands = 3 : i64, tpu.core_type = #tpu.core_type<tc>, window_params = [{pipeline_mode = #tpu.pipeline_mode<synchronous>, transform_indices = @transform_0, window_bounds = array<i64: 8192, 256>}, {pipeline_mode = #tpu.pipeline_mode<synchronous>, transform_indices = @transform_1, window_bounds = array<i64: 8192, 256>}, {pipeline_mode = #tpu.pipeline_mode<synchronous>, transform_indices = @transform_2, window_bounds = array<i64: 64, 128>}, {pipeline_mode = #tpu.pipeline_mode<synchronous>, transform_indices = @transform_3, window_bounds = array<i64: 1, 8192>}, {transform_indices = @transform_4, window_bounds = array<i64: 1, 1, 128>}, {transform_indices = @transform_5, window_bounds = array<i64: 1, 1, 128>}]} {
    %eq3A = arith.constant 0 : i32
    %eq3A_0 = arith.cmpi eq, %arg0, %eq3A : i32
    %convert_element_type3A = arith.extui %eq3A_0 : i1 to i32
    %cond3A = arith.constant 0 : i32
    %cond3A_1 = arith.cmpi ne, %convert_element_type3A, %cond3A : i32
    scf.if %cond3A_1 {
      %get3A = arith.constant 0 : index
      %get3A_10 = arith.constant 0 : index
      %get3A_11 = vector.load %arg2[%get3A, %get3A_10] : memref<8192x256xf32, #tpu.memory_space<vmem>>, vector<8192x256xf32>
      %mul3A = arith.constant -2.000000e+00 : f32
      %mul3A_12 = vector.broadcast %mul3A : f32 to vector<8192x256xf32>
      %mul3A_13 = arith.mulf %mul3A_12, %get3A_11 : vector<8192x256xf32>
      %convert_element_type3A_14 = arith.truncf %mul3A_13 : vector<8192x256xf32> to vector<8192x256xbf16>
      %transpose3A = tpu.transpose %convert_element_type3A_14, [1, 0] : vector<8192x256xbf16> -> vector<256x8192xbf16>
      %swap3A = arith.constant 0 : index
      %swap3A_15 = arith.constant 0 : index
      %swap3A_16 = vector.load %arg7[%swap3A, %swap3A_15] : memref<256x8192xbf16, #tpu.memory_space<vmem>>, vector<256x8192xbf16>
      tpu.vector_store %arg7[%swap3A, %swap3A_15], %transpose3A {strides = array<i32>} : memref<256x8192xbf16, #tpu.memory_space<vmem>>, vector<256x8192xbf16>,
    } else {
    }
    %gt3A = arith.constant 0 : i32
    %gt3A_2 = arith.cmpi sgt, %arg0, %gt3A : i32
    %convert_element_type3A_3 = arith.extui %gt3A_2 : i1 to i32
    %cond3A_4 = arith.constant 0 : i32
    %cond3A_5 = arith.cmpi ne, %convert_element_type3A_3, %cond3A_4 : i32
    scf.if %cond3A_5 {
      %get3A = arith.constant 0 : index
      %get3A_10 = arith.constant 0 : index
      %get3A_11 = vector.load %arg8[%get3A, %get3A_10] : memref<128x128xf32, #tpu.memory_space<vmem>>, vector<128x128xf32>
      %get3A_12 = arith.constant 0 : index
      %get3A_13 = arith.constant 0 : index
      %get3A_14 = vector.load %arg9[%get3A_12, %get3A_13] : memref<128x128xi32, #tpu.memory_space<vmem>>, vector<128x128xi32>
      %reduce_min3A = arith.constant dense<0x7F800000> : vector<128xf32>
      %reduce_min3A_15 = vector.multi_reduction <minimumf>, %get3A_11, %reduce_min3A [1] : vector<128x128xf32> to vector<128xf32>
      %broadcast_in_dim3A = vector.shape_cast %reduce_min3A_15 : vector<128xf32> to vector<128x1xf32>
      %iota3A = tpu.iota {dimensions = array<i32: 1>} : vector<128x128xi32>
      %mul3A = arith.constant 128 : i32
      %mul3A_16 = vector.broadcast %mul3A : i32 to vector<128x128xi32>
      %mul3A_17 = arith.muli %get3A_14, %mul3A_16 : vector<128x128xi32>
      %add3A = arith.addi %mul3A_17, %iota3A : vector<128x128xi32>
      %eq3A_18 = vector.broadcast %broadcast_in_dim3A : vector<128x1xf32> to vector<128x128xf32>
      %eq3A_19 = arith.cmpf oeq, %get3A_11, %eq3A_18 : vector<128x128xf32>
      %jit3A = arith.constant 2147483647 : i32
      %broadcast_in_dim3A_20 = vector.broadcast %jit3A : i32 to vector<128x128xi32>
      %select_n3A = arith.select %eq3A_19, %add3A, %broadcast_in_dim3A_20 : vector<128x128xi1>, vector<128x128xi32>
      %reduce_min3A_21 = arith.constant dense<2147483647> : vector<128xi32>
      %reduce_min3A_22 = vector.multi_reduction <minsi>, %select_n3A, %reduce_min3A_21 [1] : vector<128x128xi32> to vector<128xi32>
      %broadcast_in_dim3A_23 = vector.shape_cast %reduce_min3A_22 : vector<128xi32> to vector<128x1xi32>
      %transpose3A = tpu.transpose %broadcast_in_dim3A_23, [1, 0] : vector<128x1xi32> -> vector<1x128xi32>
      %reshape3A = vector.shape_cast %transpose3A : vector<1x128xi32> to vector<128xi32>
      %swap3A = arith.constant 0 : index
      %swap3A_24 = arith.constant 0 : index
      %swap3A_25 = arith.constant 0 : index
      %swap3A_26 = vector.load %arg5[%swap3A, %swap3A_24, %swap3A_25] : memref<1x1x128xi32, #tpu.memory_space<vmem>>, vector<1x1x128xi32>
      %swap3A_27 = vector.shape_cast %swap3A_26 : vector<1x1x128xi32> to vector<128xi32>
      %swap3A_28 = vector.shape_cast %reshape3A : vector<128xi32> to vector<1x1x128xi32>
      tpu.vector_store %arg5[%swap3A, %swap3A_24, %swap3A_25], %swap3A_28 {strides = array<i32>} : memref<1x1x128xi32, #tpu.memory_space<vmem>>, vector<1x1x128xi32>,
      %transpose3A_29 = tpu.transpose %broadcast_in_dim3A, [1, 0] : vector<128x1xf32> -> vector<1x128xf32>
      %reshape3A_30 = vector.shape_cast %transpose3A_29 : vector<1x128xf32> to vector<128xf32>
      %swap3A_31 = arith.constant 0 : index
      %swap3A_32 = arith.constant 0 : index
      %swap3A_33 = arith.constant 0 : index
      %swap3A_34 = vector.load %arg6[%swap3A_31, %swap3A_32, %swap3A_33] : memref<1x1x128xf32, #tpu.memory_space<vmem>>, vector<1x1x128xf32>
      %swap3A_35 = vector.shape_cast %swap3A_34 : vector<1x1x128xf32> to vector<128xf32>
      %swap3A_36 = vector.shape_cast %reshape3A_30 : vector<128xf32> to vector<1x1x128xf32>
      tpu.vector_store %arg6[%swap3A_31, %swap3A_32, %swap3A_33], %swap3A_36 {strides = array<i32>} : memref<1x1x128xf32, #tpu.memory_space<vmem>>, vector<1x1x128xf32>,
    } else {
    }
    %lt3A = arith.constant 64 : i32
    %lt3A_6 = arith.cmpi slt, %arg0, %lt3A : i32
    %convert_element_type3A_7 = arith.extui %lt3A_6 : i1 to i32
    %cond3A_8 = arith.constant 0 : i32
    %cond3A_9 = arith.cmpi ne, %convert_element_type3A_7, %cond3A_8 : i32
    scf.if %cond3A_9 {
      %mul3A = arith.constant 128 : i32
      %mul3A_10 = arith.muli %arg0, %mul3A : i32
      %get3A = arith.index_cast %mul3A_10 : i32 to index
      %get3A_11 = arith.constant 0 : index
      %get3A_12 = vector.load %arg1[%get3A, %get3A_11] : memref<8192x256xbf16, #tpu.memory_space<vmem>>, vector<128x256xbf16>
      %get3A_13 = arith.constant 0 : index
      %get3A_14 = arith.constant 0 : index
      %get3A_15 = vector.load %arg7[%get3A_13, %get3A_14] : memref<256x8192xbf16, #tpu.memory_space<vmem>>, vector<256x8192xbf16>
      %dot_general3A = arith.constant dense<0.000000e+00> : vector<128x8192xf32>
      %dot_general3A_16 = tpu.matmul %get3A_12, %get3A_15, %dot_general3A {dimension_numbers = #tpu.dot_dimension_numbers<[1], [0], [0], [1], [0, 0, 1, 1], [], []>, transpose_lhs_hint = false} : vector<128x256xbf16>, vector<256x8192xbf16>, vector<128x8192xf32> -> vector<128x8192xf32>
      %get3A_17 = arith.index_cast %arg0 : i32 to index
      %get3A_18 = arith.constant 0 : index
      %get3A_19 = vector.load %arg3[%get3A_17, %get3A_18] : memref<64x128xf32, #tpu.memory_space<vmem>>, vector<1x128xf32>
      %transpose3A = tpu.transpose %get3A_19, [1, 0] : vector<1x128xf32> -> vector<128x1xf32>
      %slice3A = vector.extract_strided_slice %dot_general3A_16 {offsets = [0, 0], sizes = [128, 128], strides = [1, 1]} : vector<128x8192xf32> to vector<128x128xf32>
      %get3A_20 = arith.constant 0 : index
      %get3A_21 = arith.constant 0 : index
      %get3A_22 = vector.load %arg4[%get3A_20, %get3A_21] : memref<1x8192xf32, #tpu.memory_space<vmem>>, vector<1x8192xf32>
      %slice3A_23 = vector.extract_strided_slice %get3A_22 {offsets = [0, 0], sizes = [1, 128], strides = [1, 1]} : vector<1x8192xf32> to vector<1x128xf32>
      %add3A = vector.broadcast %transpose3A : vector<128x1xf32> to vector<128x128xf32>
      %add3A_24 = vector.broadcast %slice3A_23 : vector<1x128xf32> to vector<128x128xf32>
      %add3A_25 = arith.addf %add3A, %add3A_24 : vector<128x128xf32>
      %add3A_26 = arith.addf %add3A_25, %slice3A : vector<128x128xf32>
      %broadcast_in_dim3A = arith.constant 0 : i32
      %broadcast_in_dim3A_27 = vector.broadcast %broadcast_in_dim3A : i32 to vector<128x128xi32>
      %slice3A_28 = vector.extract_strided_slice %dot_general3A_16 {offsets = [0, 128], sizes = [128, 128], strides = [1, 1]} : vector<128x8192xf32> to vector<128x128xf32>
      %get3A_29 = arith.constant 0 : index
      %get3A_30 = arith.constant 0 : index
      %get3A_31 = vector.load %arg4[%get3A_29, %get3A_30] : memref<1x8192xf32, #tpu.memory_space<vmem>>, vector<1x8192xf32>
      %slice3A_32 = vector.extract_strided_slice %get3A_31 {offsets = [0, 128], sizes = [1, 128], strides = [1, 1]} : vector<1x8192xf32> to vector<1x128xf32>
      %add3A_33 = vector.broadcast %transpose3A : vector<128x1xf32> to vector<128x128xf32>
      %add3A_34 = vector.broadcast %slice3A_32 : vector<1x128xf32> to vector<128x128xf32>
      %add3A_35 = arith.addf %add3A_33, %add3A_34 : vector<128x128xf32>
      %add3A_36 = arith.addf %add3A_35, %slice3A_28 : vector<128x128xf32>
      %lt3A_37 = arith.cmpf olt, %add3A_36, %add3A_26 : vector<128x128xf32>
      %select_n3A = arith.select %lt3A_37, %add3A_36, %add3A_26 : vector<128x128xi1>, vector<128x128xf32>
      %jit3A = arith.constant 1 : i32
      %broadcast_in_dim3A_38 = vector.broadcast %jit3A : i32 to vector<128x128xi32>
      %select_n3A_39 = arith.select %lt3A_37, %broadcast_in_dim3A_38, %broadcast_in_dim3A_27 : vector<128x128xi1>, vector<128x128xi32>
      %slice3A_40 = vector.extract_strided_slice %dot_general3A_16 {offsets = [0, 256], sizes = [128, 128], strides = [1, 1]} : vector<128x8192xf32> to vector<128x128xf32>
      %get3A_41 = arith.constant 0 : index
      %get3A_42 = arith.constant 0 : index
      %get3A_43 = vector.load %arg4[%get3A_41, %get3A_42] : memref<1x8192xf32, #tpu.memory_space<vmem>>, vector<1x8192xf32>
      %slice3A_44 = vector.extract_strided_slice %get3A_43 {offsets = [0, 256], sizes = [1, 128], strides = [1, 1]} : vector<1x8192xf32> to vector<1x128xf32>
      %add3A_45 = vector.broadcast %transpose3A : vector<128x1xf32> to vector<128x128xf32>
      %add3A_46 = vector.broadcast %slice3A_44 : vector<1x128xf32> to vector<128x128xf32>
      %add3A_47 = arith.addf %add3A_45, %add3A_46 : vector<128x128xf32>
      %add3A_48 = arith.addf %add3A_47, %slice3A_40 : vector<128x128xf32>
      %lt3A_49 = arith.cmpf olt, %add3A_48, %select_n3A : vector<128x128xf32>
      %select_n3A_50 = arith.select %lt3A_49, %add3A_48, %select_n3A : vector<128x128xi1>, vector<128x128xf32>
      %jit3A_51 = arith.constant 2 : i32
      %broadcast_in_dim3A_52 = vector.broadcast %jit3A_51 : i32 to vector<128x128xi32>
      %select_n3A_53 = arith.select %lt3A_49, %broadcast_in_dim3A_52, %select_n3A_39 : vector<128x128xi1>, vector<128x128xi32>
      %slice3A_54 = vector.extract_strided_slice %dot_general3A_16 {offsets = [0, 384], sizes = [128, 128], strides = [1, 1]} : vector<128x8192xf32> to vector<128x128xf32>
      %get3A_55 = arith.constant 0 : index
      %get3A_56 = arith.constant 0 : index
      %get3A_57 = vector.load %arg4[%get3A_55, %get3A_56] : memref<1x8192xf32, #tpu.memory_space<vmem>>, vector<1x8192xf32>
      %slice3A_58 = vector.extract_strided_slice %get3A_57 {offsets = [0, 384], sizes = [1, 128], strides = [1, 1]} : vector<1x8192xf32> to vector<1x128xf32>
      %add3A_59 = vector.broadcast %transpose3A : vector<128x1xf32> to vector<128x128xf32>
      %add3A_60 = vector.broadcast %slice3A_58 : vector<1x128xf32> to vector<128x128xf32>
      %add3A_61 = arith.addf %add3A_59, %add3A_60 : vector<128x128xf32>
      %add3A_62 = arith.addf %add3A_61, %slice3A_54 : vector<128x128xf32>
      %lt3A_63 = arith.cmpf olt, %add3A_62, %select_n3A_50 : vector<128x128xf32>
      %select_n3A_64 = arith.select %lt3A_63, %add3A_62, %select_n3A_50 : vector<128x128xi1>, vector<128x128xf32>
      %jit3A_65 = arith.constant 3 : i32
      %broadcast_in_dim3A_66 = vector.broadcast %jit3A_65 : i32 to vector<128x128xi32>
      %select_n3A_67 = arith.select %lt3A_63, %broadcast_in_dim3A_66, %select_n3A_53 : vector<128x128xi1>, vector<128x128xi32>
      %slice3A_68 = vector.extract_strided_slice %dot_general3A_16 {offsets = [0, 512], sizes = [128, 128], strides = [1, 1]} : vector<128x8192xf32> to vector<128x128xf32>
      %get3A_69 = arith.constant 0 : index
      %get3A_70 = arith.constant 0 : index
      %get3A_71 = vector.load %arg4[%get3A_69, %get3A_70] : memref<1x8192xf32, #tpu.memory_space<vmem>>, vector<1x8192xf32>
      %slice3A_72 = vector.extract_strided_slice %get3A_71 {offsets = [0, 512], sizes = [1, 128], strides = [1, 1]} : vector<1x8192xf32> to vector<1x128xf32>
      %add3A_73 = vector.broadcast %transpose3A : vector<128x1xf32> to vector<128x128xf32>
      %add3A_74 = vector.broadcast %slice3A_72 : vector<1x128xf32> to vector<128x128xf32>
      %add3A_75 = arith.addf %add3A_73, %add3A_74 : vector<128x128xf32>
      %add3A_76 = arith.addf %add3A_75, %slice3A_68 : vector<128x128xf32>
      %lt3A_77 = arith.cmpf olt, %add3A_76, %select_n3A_64 : vector<128x128xf32>
      %select_n3A_78 = arith.select %lt3A_77, %add3A_76, %select_n3A_64 : vector<128x128xi1>, vector<128x128xf32>
      %jit3A_79 = arith.constant 4 : i32
      %broadcast_in_dim3A_80 = vector.broadcast %jit3A_79 : i32 to vector<128x128xi32>
      %select_n3A_81 = arith.select %lt3A_77, %broadcast_in_dim3A_80, %select_n3A_67 : vector<128x128xi1>, vector<128x128xi32>
      %slice3A_82 = vector.extract_strided_slice %dot_general3A_16 {offsets = [0, 640], sizes = [128, 128], strides = [1, 1]} : vector<128x8192xf32> to vector<128x128xf32>
      %get3A_83 = arith.constant 0 : index
      %get3A_84 = arith.constant 0 : index
      %get3A_85 = vector.load %arg4[%get3A_83, %get3A_84] : memref<1x8192xf32, #tpu.memory_space<vmem>>, vector<1x8192xf32>
      %slice3A_86 = vector.extract_strided_slice %get3A_85 {offsets = [0, 640], sizes = [1, 128], strides = [1, 1]} : vector<1x8192xf32> to vector<1x128xf32>
      %add3A_87 = vector.broadcast %transpose3A : vector<128x1xf32> to vector<128x128xf32>
      %add3A_88 = vector.broadcast %slice3A_86 : vector<1x128xf32> to vector<128x128xf32>
      %add3A_89 = arith.addf %add3A_87, %add3A_88 : vector<128x128xf32>
      %add3A_90 = arith.addf %add3A_89, %slice3A_82 : vector<128x128xf32>
      %lt3A_91 = arith.cmpf olt, %add3A_90, %select_n3A_78 : vector<128x128xf32>
      %select_n3A_92 = arith.select %lt3A_91, %add3A_90, %select_n3A_78 : vector<128x128xi1>, vector<128x128xf32>
      %jit3A_93 = arith.constant 5 : i32
      %broadcast_in_dim3A_94 = vector.broadcast %jit3A_93 : i32 to vector<128x128xi32>
      %select_n3A_95 = arith.select %lt3A_91, %broadcast_in_dim3A_94, %select_n3A_81 : vector<128x128xi1>, vector<128x128xi32>
      %slice3A_96 = vector.extract_strided_slice %dot_general3A_16 {offsets = [0, 768], sizes = [128, 128], strides = [1, 1]} : vector<128x8192xf32> to vector<128x128xf32>
      %get3A_97 = arith.constant 0 : index
      %get3A_98 = arith.constant 0 : index
      %get3A_99 = vector.load %arg4[%get3A_97, %get3A_98] : memref<1x8192xf32, #tpu.memory_space<vmem>>, vector<1x8192xf32>
      %slice3A_100 = vector.extract_strided_slice %get3A_99 {offsets = [0, 768], sizes = [1, 128], strides = [1, 1]} : vector<1x8192xf32> to vector<1x128xf32>
      %add3A_101 = vector.broadcast %transpose3A : vector<128x1xf32> to vector<128x128xf32>
      %add3A_102 = vector.broadcast %slice3A_100 : vector<1x128xf32> to vector<128x128xf32>
      %add3A_103 = arith.addf %add3A_101, %add3A_102 : vector<128x128xf32>
      %add3A_104 = arith.addf %add3A_103, %slice3A_96 : vector<128x128xf32>
      %lt3A_105 = arith.cmpf olt, %add3A_104, %select_n3A_92 : vector<128x128xf32>
      %select_n3A_106 = arith.select %lt3A_105, %add3A_104, %select_n3A_92 : vector<128x128xi1>, vector<128x128xf32>
      %jit3A_107 = arith.constant 6 : i32
      %broadcast_in_dim3A_108 = vector.broadcast %jit3A_107 : i32 to vector<128x128xi32>
      %select_n3A_109 = arith.select %lt3A_105, %broadcast_in_dim3A_108, %select_n3A_95 : vector<128x128xi1>, vector<128x128xi32>
      %slice3A_110 = vector.extract_strided_slice %dot_general3A_16 {offsets = [0, 896], sizes = [128, 128], strides = [1, 1]} : vector<128x8192xf32> to vector<128x128xf32>
      %get3A_111 = arith.constant 0 : index
      %get3A_112 = arith.constant 0 : index
      %get3A_113 = vector.load %arg4[%get3A_111, %get3A_112] : memref<1x8192xf32, #tpu.memory_space<vmem>>, vector<1x8192xf32>
      %slice3A_114 = vector.extract_strided_slice %get3A_113 {offsets = [0, 896], sizes = [1, 128], strides = [1, 1]} : vector<1x8192xf32> to vector<1x128xf32>
      %add3A_115 = vector.broadcast %transpose3A : vector<128x1xf32> to vector<128x128xf32>
      %add3A_116 = vector.broadcast %slice3A_114 : vector<1x128xf32> to vector<128x128xf32>
      %add3A_117 = arith.addf %add3A_115, %add3A_116 : vector<128x128xf32>
      %add3A_118 = arith.addf %add3A_117, %slice3A_110 : vector<128x128xf32>
      %lt3A_119 = arith.cmpf olt, %add3A_118, %select_n3A_106 : vector<128x128xf32>
      %select_n3A_120 = arith.select %lt3A_119, %add3A_118, %select_n3A_106 : vector<128x128xi1>, vector<128x128xf32>
      %jit3A_121 = arith.constant 7 : i32
      %broadcast_in_dim3A_122 = vector.broadcast %jit3A_121 : i32 to vector<128x128xi32>
      %select_n3A_123 = arith.select %lt3A_119, %broadcast_in_dim3A_122, %select_n3A_109 : vector<128x128xi1>, vector<128x128xi32>
      %slice3A_124 = vector.extract_strided_slice %dot_general3A_16 {offsets = [0, 1024], sizes = [128, 128], strides = [1, 1]} : vector<128x8192xf32> to vector<128x128xf32>
      %get3A_125 = arith.constant 0 : index
      %get3A_126 = arith.constant 0 : index
      %get3A_127 = vector.load %arg4[%get3A_125, %get3A_126] : memref<1x8192xf32, #tpu.memory_space<vmem>>, vector<1x8192xf32>
      %slice3A_128 = vector.extract_strided_slice %get3A_127 {offsets = [0, 1024], sizes = [1, 128], strides = [1, 1]} : vector<1x8192xf32> to vector<1x128xf32>
      %add3A_129 = vector.broadcast %transpose3A : vector<128x1xf32> to vector<128x128xf32>
      %add3A_130 = vector.broadcast %slice3A_128 : vector<1x128xf32> to vector<128x128xf32>
      %add3A_131 = arith.addf %add3A_129, %add3A_130 : vector<128x128xf32>
      %add3A_132 = arith.addf %add3A_131, %slice3A_124 : vector<128x128xf32>
      %lt3A_133 = arith.cmpf olt, %add3A_132, %select_n3A_120 : vector<128x128xf32>
      %select_n3A_134 = arith.select %lt3A_133, %add3A_132, %select_n3A_120 : vector<128x128xi1>, vector<128x128xf32>
      %jit3A_135 = arith.constant 8 : i32
      %broadcast_in_dim3A_136 = vector.broadcast %jit3A_135 : i32 to vector<128x128xi32>
      %select_n3A_137 = arith.select %lt3A_133, %broadcast_in_dim3A_136, %select_n3A_123 : vector<128x128xi1>, vector<128x128xi32>
      %slice3A_138 = vector.extract_strided_slice %dot_general3A_16 {offsets = [0, 1152], sizes = [128, 128], strides = [1, 1]} : vector<128x8192xf32> to vector<128x128xf32>
      %get3A_139 = arith.constant 0 : index
      %get3A_140 = arith.constant 0 : index
      %get3A_141 = vector.load %arg4[%get3A_139, %get3A_140] : memref<1x8192xf32, #tpu.memory_space<vmem>>, vector<1x8192xf32>
      %slice3A_142 = vector.extract_strided_slice %get3A_141 {offsets = [0, 1152], sizes = [1, 128], strides = [1, 1]} : vector<1x8192xf32> to vector<1x128xf32>
      %add3A_143 = vector.broadcast %transpose3A : vector<128x1xf32> to vector<128x128xf32>
      %add3A_144 = vector.broadcast %slice3A_142 : vector<1x128xf32> to vector<128x128xf32>
      %add3A_145 = arith.addf %add3A_143, %add3A_144 : vector<128x128xf32>
      %add3A_146 = arith.addf %add3A_145, %slice3A_138 : vector<128x128xf32>
      %lt3A_147 = arith.cmpf olt, %add3A_146, %select_n3A_134 : vector<128x128xf32>
      %select_n3A_148 = arith.select %lt3A_147, %add3A_146, %select_n3A_134 : vector<128x128xi1>, vector<128x128xf32>
      %jit3A_149 = arith.constant 9 : i32
      %broadcast_in_dim3A_150 = vector.broadcast %jit3A_149 : i32 to vector<128x128xi32>
      %select_n3A_151 = arith.select %lt3A_147, %broadcast_in_dim3A_150, %select_n3A_137 : vector<128x128xi1>, vector<128x128xi32>
      %slice3A_152 = vector.extract_strided_slice %dot_general3A_16 {offsets = [0, 1280], sizes = [128, 128], strides = [1, 1]} : vector<128x8192xf32> to vector<128x128xf32>
      %get3A_153 = arith.constant 0 : index
      %get3A_154 = arith.constant 0 : index
      %get3A_155 = vector.load %arg4[%get3A_153, %get3A_154] : memref<1x8192xf32, #tpu.memory_space<vmem>>, vector<1x8192xf32>
      %slice3A_156 = vector.extract_strided_slice %get3A_155 {offsets = [0, 1280], sizes = [1, 128], strides = [1, 1]} : vector<1x8192xf32> to vector<1x128xf32>
      %add3A_157 = vector.broadcast %transpose3A : vector<128x1xf32> to vector<128x128xf32>
      %add3A_158 = vector.broadcast %slice3A_156 : vector<1x128xf32> to vector<128x128xf32>
      %add3A_159 = arith.addf %add3A_157, %add3A_158 : vector<128x128xf32>
      %add3A_160 = arith.addf %add3A_159, %slice3A_152 : vector<128x128xf32>
      %lt3A_161 = arith.cmpf olt, %add3A_160, %select_n3A_148 : vector<128x128xf32>
      %select_n3A_162 = arith.select %lt3A_161, %add3A_160, %select_n3A_148 : vector<128x128xi1>, vector<128x128xf32>
      %jit3A_163 = arith.constant 10 : i32
      %broadcast_in_dim3A_164 = vector.broadcast %jit3A_163 : i32 to vector<128x128xi32>
      %select_n3A_165 = arith.select %lt3A_161, %broadcast_in_dim3A_164, %select_n3A_151 : vector<128x128xi1>, vector<128x128xi32>
      %slice3A_166 = vector.extract_strided_slice %dot_general3A_16 {offsets = [0, 1408], sizes = [128, 128], strides = [1, 1]} : vector<128x8192xf32> to vector<128x128xf32>
      %get3A_167 = arith.constant 0 : index
      %get3A_168 = arith.constant 0 : index
      %get3A_169 = vector.load %arg4[%get3A_167, %get3A_168] : memref<1x8192xf32, #tpu.memory_space<vmem>>, vector<1x8192xf32>
      %slice3A_170 = vector.extract_strided_slice %get3A_169 {offsets = [0, 1408], sizes = [1, 128], strides = [1, 1]} : vector<1x8192xf32> to vector<1x128xf32>
      %add3A_171 = vector.broadcast %transpose3A : vector<128x1xf32> to vector<128x128xf32>
      %add3A_172 = vector.broadcast %slice3A_170 : vector<1x128xf32> to vector<128x128xf32>
      %add3A_173 = arith.addf %add3A_171, %add3A_172 : vector<128x128xf32>
      %add3A_174 = arith.addf %add3A_173, %slice3A_166 : vector<128x128xf32>
      %lt3A_175 = arith.cmpf olt, %add3A_174, %select_n3A_162 : vector<128x128xf32>
      %select_n3A_176 = arith.select %lt3A_175, %add3A_174, %select_n3A_162 : vector<128x128xi1>, vector<128x128xf32>
      %jit3A_177 = arith.constant 11 : i32
      %broadcast_in_dim3A_178 = vector.broadcast %jit3A_177 : i32 to vector<128x128xi32>
      %select_n3A_179 = arith.select %lt3A_175, %broadcast_in_dim3A_178, %select_n3A_165 : vector<128x128xi1>, vector<128x128xi32>
      %slice3A_180 = vector.extract_strided_slice %dot_general3A_16 {offsets = [0, 1536], sizes = [128, 128], strides = [1, 1]} : vector<128x8192xf32> to vector<128x128xf32>
      %get3A_181 = arith.constant 0 : index
      %get3A_182 = arith.constant 0 : index
      %get3A_183 = vector.load %arg4[%get3A_181, %get3A_182] : memref<1x8192xf32, #tpu.memory_space<vmem>>, vector<1x8192xf32>
      %slice3A_184 = vector.extract_strided_slice %get3A_183 {offsets = [0, 1536], sizes = [1, 128], strides = [1, 1]} : vector<1x8192xf32> to vector<1x128xf32>
      %add3A_185 = vector.broadcast %transpose3A : vector<128x1xf32> to vector<128x128xf32>
      %add3A_186 = vector.broadcast %slice3A_184 : vector<1x128xf32> to vector<128x128xf32>
      %add3A_187 = arith.addf %add3A_185, %add3A_186 : vector<128x128xf32>
      %add3A_188 = arith.addf %add3A_187, %slice3A_180 : vector<128x128xf32>
      %lt3A_189 = arith.cmpf olt, %add3A_188, %select_n3A_176 : vector<128x128xf32>
      %select_n3A_190 = arith.select %lt3A_189, %add3A_188, %select_n3A_176 : vector<128x128xi1>, vector<128x128xf32>
      %jit3A_191 = arith.constant 12 : i32
      %broadcast_in_dim3A_192 = vector.broadcast %jit3A_191 : i32 to vector<128x128xi32>
      %select_n3A_193 = arith.select %lt3A_189, %broadcast_in_dim3A_192, %select_n3A_179 : vector<128x128xi1>, vector<128x128xi32>
      %slice3A_194 = vector.extract_strided_slice %dot_general3A_16 {offsets = [0, 1664], sizes = [128, 128], strides = [1, 1]} : vector<128x8192xf32> to vector<128x128xf32>
      %get3A_195 = arith.constant 0 : index
      %get3A_196 = arith.constant 0 : index
      %get3A_197 = vector.load %arg4[%get3A_195, %get3A_196] : memref<1x8192xf32, #tpu.memory_space<vmem>>, vector<1x8192xf32>
      %slice3A_198 = vector.extract_strided_slice %get3A_197 {offsets = [0, 1664], sizes = [1, 128], strides = [1, 1]} : vector<1x8192xf32> to vector<1x128xf32>
      %add3A_199 = vector.broadcast %transpose3A : vector<128x1xf32> to vector<128x128xf32>
      %add3A_200 = vector.broadcast %slice3A_198 : vector<1x128xf32> to vector<128x128xf32>
      %add3A_201 = arith.addf %add3A_199, %add3A_200 : vector<128x128xf32>
      %add3A_202 = arith.addf %add3A_201, %slice3A_194 : vector<128x128xf32>
      %lt3A_203 = arith.cmpf olt, %add3A_202, %select_n3A_190 : vector<128x128xf32>
      %select_n3A_204 = arith.select %lt3A_203, %add3A_202, %select_n3A_190 : vector<128x128xi1>, vector<128x128xf32>
      %jit3A_205 = arith.constant 13 : i32
      %broadcast_in_dim3A_206 = vector.broadcast %jit3A_205 : i32 to vector<128x128xi32>
      %select_n3A_207 = arith.select %lt3A_203, %broadcast_in_dim3A_206, %select_n3A_193 : vector<128x128xi1>, vector<128x128xi32>
      %slice3A_208 = vector.extract_strided_slice %dot_general3A_16 {offsets = [0, 1792], sizes = [128, 128], strides = [1, 1]} : vector<128x8192xf32> to vector<128x128xf32>
      %get3A_209 = arith.constant 0 : index
      %get3A_210 = arith.constant 0 : index
      %get3A_211 = vector.load %arg4[%get3A_209, %get3A_210] : memref<1x8192xf32, #tpu.memory_space<vmem>>, vector<1x8192xf32>
      %slice3A_212 = vector.extract_strided_slice %get3A_211 {offsets = [0, 1792], sizes = [1, 128], strides = [1, 1]} : vector<1x8192xf32> to vector<1x128xf32>
      %add3A_213 = vector.broadcast %transpose3A : vector<128x1xf32> to vector<128x128xf32>
      %add3A_214 = vector.broadcast %slice3A_212 : vector<1x128xf32> to vector<128x128xf32>
      %add3A_215 = arith.addf %add3A_213, %add3A_214 : vector<128x128xf32>
      %add3A_216 = arith.addf %add3A_215, %slice3A_208 : vector<128x128xf32>
      %lt3A_217 = arith.cmpf olt, %add3A_216, %select_n3A_204 : vector<128x128xf32>
      %select_n3A_218 = arith.select %lt3A_217, %add3A_216, %select_n3A_204 : vector<128x128xi1>, vector<128x128xf32>
      %jit3A_219 = arith.constant 14 : i32
      %broadcast_in_dim3A_220 = vector.broadcast %jit3A_219 : i32 to vector<128x128xi32>
      %select_n3A_221 = arith.select %lt3A_217, %broadcast_in_dim3A_220, %select_n3A_207 : vector<128x128xi1>, vector<128x128xi32>
      %slice3A_222 = vector.extract_strided_slice %dot_general3A_16 {offsets = [0, 1920], sizes = [128, 128], strides = [1, 1]} : vector<128x8192xf32> to vector<128x128xf32>
      %get3A_223 = arith.constant 0 : index
      %get3A_224 = arith.constant 0 : index
      %get3A_225 = vector.load %arg4[%get3A_223, %get3A_224] : memref<1x8192xf32, #tpu.memory_space<vmem>>, vector<1x8192xf32>
      %slice3A_226 = vector.extract_strided_slice %get3A_225 {offsets = [0, 1920], sizes = [1, 128], strides = [1, 1]} : vector<1x8192xf32> to vector<1x128xf32>
      %add3A_227 = vector.broadcast %transpose3A : vector<128x1xf32> to vector<128x128xf32>
      %add3A_228 = vector.broadcast %slice3A_226 : vector<1x128xf32> to vector<128x128xf32>
      %add3A_229 = arith.addf %add3A_227, %add3A_228 : vector<128x128xf32>
      %add3A_230 = arith.addf %add3A_229, %slice3A_222 : vector<128x128xf32>
      %lt3A_231 = arith.cmpf olt, %add3A_230, %select_n3A_218 : vector<128x128xf32>
      %select_n3A_232 = arith.select %lt3A_231, %add3A_230, %select_n3A_218 : vector<128x128xi1>, vector<128x128xf32>
      %jit3A_233 = arith.constant 15 : i32
      %broadcast_in_dim3A_234 = vector.broadcast %jit3A_233 : i32 to vector<128x128xi32>
      %select_n3A_235 = arith.select %lt3A_231, %broadcast_in_dim3A_234, %select_n3A_221 : vector<128x128xi1>, vector<128x128xi32>
      %slice3A_236 = vector.extract_strided_slice %dot_general3A_16 {offsets = [0, 2048], sizes = [128, 128], strides = [1, 1]} : vector<128x8192xf32> to vector<128x128xf32>
      %get3A_237 = arith.constant 0 : index
      %get3A_238 = arith.constant 0 : index
      %get3A_239 = vector.load %arg4[%get3A_237, %get3A_238] : memref<1x8192xf32, #tpu.memory_space<vmem>>, vector<1x8192xf32>
      %slice3A_240 = vector.extract_strided_slice %get3A_239 {offsets = [0, 2048], sizes = [1, 128], strides = [1, 1]} : vector<1x8192xf32> to vector<1x128xf32>
      %add3A_241 = vector.broadcast %transpose3A : vector<128x1xf32> to vector<128x128xf32>
      %add3A_242 = vector.broadcast %slice3A_240 : vector<1x128xf32> to vector<128x128xf32>
      %add3A_243 = arith.addf %add3A_241, %add3A_242 : vector<128x128xf32>
      %add3A_244 = arith.addf %add3A_243, %slice3A_236 : vector<128x128xf32>
      %lt3A_245 = arith.cmpf olt, %add3A_244, %select_n3A_232 : vector<128x128xf32>
      %select_n3A_246 = arith.select %lt3A_245, %add3A_244, %select_n3A_232 : vector<128x128xi1>, vector<128x128xf32>
      %jit3A_247 = arith.constant 16 : i32
      %broadcast_in_dim3A_248 = vector.broadcast %jit3A_247 : i32 to vector<128x128xi32>
      %select_n3A_249 = arith.select %lt3A_245, %broadcast_in_dim3A_248, %select_n3A_235 : vector<128x128xi1>, vector<128x128xi32>
      %slice3A_250 = vector.extract_strided_slice %dot_general3A_16 {offsets = [0, 2176], sizes = [128, 128], strides = [1, 1]} : vector<128x8192xf32> to vector<128x128xf32>
      %get3A_251 = arith.constant 0 : index
      %get3A_252 = arith.constant 0 : index
      %get3A_253 = vector.load %arg4[%get3A_251, %get3A_252] : memref<1x8192xf32, #tpu.memory_space<vmem>>, vector<1x8192xf32>
      %slice3A_254 = vector.extract_strided_slice %get3A_253 {offsets = [0, 2176], sizes = [1, 128], strides = [1, 1]} : vector<1x8192xf32> to vector<1x128xf32>
      %add3A_255 = vector.broadcast %transpose3A : vector<128x1xf32> to vector<128x128xf32>
      %add3A_256 = vector.broadcast %slice3A_254 : vector<1x128xf32> to vector<128x128xf32>
      %add3A_257 = arith.addf %add3A_255, %add3A_256 : vector<128x128xf32>
      %add3A_258 = arith.addf %add3A_257, %slice3A_250 : vector<128x128xf32>
      %lt3A_259 = arith.cmpf olt, %add3A_258, %select_n3A_246 : vector<128x128xf32>
      %select_n3A_260 = arith.select %lt3A_259, %add3A_258, %select_n3A_246 : vector<128x128xi1>, vector<128x128xf32>
      %jit3A_261 = arith.constant 17 : i32
      %broadcast_in_dim3A_262 = vector.broadcast %jit3A_261 : i32 to vector<128x128xi32>
      %select_n3A_263 = arith.select %lt3A_259, %broadcast_in_dim3A_262, %select_n3A_249 : vector<128x128xi1>, vector<128x128xi32>
      %slice3A_264 = vector.extract_strided_slice %dot_general3A_16 {offsets = [0, 2304], sizes = [128, 128], strides = [1, 1]} : vector<128x8192xf32> to vector<128x128xf32>
      %get3A_265 = arith.constant 0 : index
      %get3A_266 = arith.constant 0 : index
      %get3A_267 = vector.load %arg4[%get3A_265, %get3A_266] : memref<1x8192xf32, #tpu.memory_space<vmem>>, vector<1x8192xf32>
      %slice3A_268 = vector.extract_strided_slice %get3A_267 {offsets = [0, 2304], sizes = [1, 128], strides = [1, 1]} : vector<1x8192xf32> to vector<1x128xf32>
      %add3A_269 = vector.broadcast %transpose3A : vector<128x1xf32> to vector<128x128xf32>
      %add3A_270 = vector.broadcast %slice3A_268 : vector<1x128xf32> to vector<128x128xf32>
      %add3A_271 = arith.addf %add3A_269, %add3A_270 : vector<128x128xf32>
      %add3A_272 = arith.addf %add3A_271, %slice3A_264 : vector<128x128xf32>
      %lt3A_273 = arith.cmpf olt, %add3A_272, %select_n3A_260 : vector<128x128xf32>
      %select_n3A_274 = arith.select %lt3A_273, %add3A_272, %select_n3A_260 : vector<128x128xi1>, vector<128x128xf32>
      %jit3A_275 = arith.constant 18 : i32
      %broadcast_in_dim3A_276 = vector.broadcast %jit3A_275 : i32 to vector<128x128xi32>
      %select_n3A_277 = arith.select %lt3A_273, %broadcast_in_dim3A_276, %select_n3A_263 : vector<128x128xi1>, vector<128x128xi32>
      %slice3A_278 = vector.extract_strided_slice %dot_general3A_16 {offsets = [0, 2432], sizes = [128, 128], strides = [1, 1]} : vector<128x8192xf32> to vector<128x128xf32>
      %get3A_279 = arith.constant 0 : index
      %get3A_280 = arith.constant 0 : index
      %get3A_281 = vector.load %arg4[%get3A_279, %get3A_280] : memref<1x8192xf32, #tpu.memory_space<vmem>>, vector<1x8192xf32>
      %slice3A_282 = vector.extract_strided_slice %get3A_281 {offsets = [0, 2432], sizes = [1, 128], strides = [1, 1]} : vector<1x8192xf32> to vector<1x128xf32>
      %add3A_283 = vector.broadcast %transpose3A : vector<128x1xf32> to vector<128x128xf32>
      %add3A_284 = vector.broadcast %slice3A_282 : vector<1x128xf32> to vector<128x128xf32>
      %add3A_285 = arith.addf %add3A_283, %add3A_284 : vector<128x128xf32>
      %add3A_286 = arith.addf %add3A_285, %slice3A_278 : vector<128x128xf32>
      %lt3A_287 = arith.cmpf olt, %add3A_286, %select_n3A_274 : vector<128x128xf32>
      %select_n3A_288 = arith.select %lt3A_287, %add3A_286, %select_n3A_274 : vector<128x128xi1>, vector<128x128xf32>
      %jit3A_289 = arith.constant 19 : i32
      %broadcast_in_dim3A_290 = vector.broadcast %jit3A_289 : i32 to vector<128x128xi32>
      %select_n3A_291 = arith.select %lt3A_287, %broadcast_in_dim3A_290, %select_n3A_277 : vector<128x128xi1>, vector<128x128xi32>
      %slice3A_292 = vector.extract_strided_slice %dot_general3A_16 {offsets = [0, 2560], sizes = [128, 128], strides = [1, 1]} : vector<128x8192xf32> to vector<128x128xf32>
      %get3A_293 = arith.constant 0 : index
      %get3A_294 = arith.constant 0 : index
      %get3A_295 = vector.load %arg4[%get3A_293, %get3A_294] : memref<1x8192xf32, #tpu.memory_space<vmem>>, vector<1x8192xf32>
      %slice3A_296 = vector.extract_strided_slice %get3A_295 {offsets = [0, 2560], sizes = [1, 128], strides = [1, 1]} : vector<1x8192xf32> to vector<1x128xf32>
      %add3A_297 = vector.broadcast %transpose3A : vector<128x1xf32> to vector<128x128xf32>
      %add3A_298 = vector.broadcast %slice3A_296 : vector<1x128xf32> to vector<128x128xf32>
      %add3A_299 = arith.addf %add3A_297, %add3A_298 : vector<128x128xf32>
      %add3A_300 = arith.addf %add3A_299, %slice3A_292 : vector<128x128xf32>
      %lt3A_301 = arith.cmpf olt, %add3A_300, %select_n3A_288 : vector<128x128xf32>
      %select_n3A_302 = arith.select %lt3A_301, %add3A_300, %select_n3A_288 : vector<128x128xi1>, vector<128x128xf32>
      %jit3A_303 = arith.constant 20 : i32
      %broadcast_in_dim3A_304 = vector.broadcast %jit3A_303 : i32 to vector<128x128xi32>
      %select_n3A_305 = arith.select %lt3A_301, %broadcast_in_dim3A_304, %select_n3A_291 : vector<128x128xi1>, vector<128x128xi32>
      %slice3A_306 = vector.extract_strided_slice %dot_general3A_16 {offsets = [0, 2688], sizes = [128, 128], strides = [1, 1]} : vector<128x8192xf32> to vector<128x128xf32>
      %get3A_307 = arith.constant 0 : index
      %get3A_308 = arith.constant 0 : index
      %get3A_309 = vector.load %arg4[%get3A_307, %get3A_308] : memref<1x8192xf32, #tpu.memory_space<vmem>>, vector<1x8192xf32>
      %slice3A_310 = vector.extract_strided_slice %get3A_309 {offsets = [0, 2688], sizes = [1, 128], strides = [1, 1]} : vector<1x8192xf32> to vector<1x128xf32>
      %add3A_311 = vector.broadcast %transpose3A : vector<128x1xf32> to vector<128x128xf32>
      %add3A_312 = vector.broadcast %slice3A_310 : vector<1x128xf32> to vector<128x128xf32>
      %add3A_313 = arith.addf %add3A_311, %add3A_312 : vector<128x128xf32>
      %add3A_314 = arith.addf %add3A_313, %slice3A_306 : vector<128x128xf32>
      %lt3A_315 = arith.cmpf olt, %add3A_314, %select_n3A_302 : vector<128x128xf32>
      %select_n3A_316 = arith.select %lt3A_315, %add3A_314, %select_n3A_302 : vector<128x128xi1>, vector<128x128xf32>
      %jit3A_317 = arith.constant 21 : i32
      %broadcast_in_dim3A_318 = vector.broadcast %jit3A_317 : i32 to vector<128x128xi32>
      %select_n3A_319 = arith.select %lt3A_315, %broadcast_in_dim3A_318, %select_n3A_305 : vector<128x128xi1>, vector<128x128xi32>
      %slice3A_320 = vector.extract_strided_slice %dot_general3A_16 {offsets = [0, 2816], sizes = [128, 128], strides = [1, 1]} : vector<128x8192xf32> to vector<128x128xf32>
      %get3A_321 = arith.constant 0 : index
      %get3A_322 = arith.constant 0 : index
      %get3A_323 = vector.load %arg4[%get3A_321, %get3A_322] : memref<1x8192xf32, #tpu.memory_space<vmem>>, vector<1x8192xf32>
      %slice3A_324 = vector.extract_strided_slice %get3A_323 {offsets = [0, 2816], sizes = [1, 128], strides = [1, 1]} : vector<1x8192xf32> to vector<1x128xf32>
      %add3A_325 = vector.broadcast %transpose3A : vector<128x1xf32> to vector<128x128xf32>
      %add3A_326 = vector.broadcast %slice3A_324 : vector<1x128xf32> to vector<128x128xf32>
      %add3A_327 = arith.addf %add3A_325, %add3A_326 : vector<128x128xf32>
      %add3A_328 = arith.addf %add3A_327, %slice3A_320 : vector<128x128xf32>
      %lt3A_329 = arith.cmpf olt, %add3A_328, %select_n3A_316 : vector<128x128xf32>
      %select_n3A_330 = arith.select %lt3A_329, %add3A_328, %select_n3A_316 : vector<128x128xi1>, vector<128x128xf32>
      %jit3A_331 = arith.constant 22 : i32
      %broadcast_in_dim3A_332 = vector.broadcast %jit3A_331 : i32 to vector<128x128xi32>
      %select_n3A_333 = arith.select %lt3A_329, %broadcast_in_dim3A_332, %select_n3A_319 : vector<128x128xi1>, vector<128x128xi32>
      %slice3A_334 = vector.extract_strided_slice %dot_general3A_16 {offsets = [0, 2944], sizes = [128, 128], strides = [1, 1]} : vector<128x8192xf32> to vector<128x128xf32>
      %get3A_335 = arith.constant 0 : index
      %get3A_336 = arith.constant 0 : index
      %get3A_337 = vector.load %arg4[%get3A_335, %get3A_336] : memref<1x8192xf32, #tpu.memory_space<vmem>>, vector<1x8192xf32>
      %slice3A_338 = vector.extract_strided_slice %get3A_337 {offsets = [0, 2944], sizes = [1, 128], strides = [1, 1]} : vector<1x8192xf32> to vector<1x128xf32>
      %add3A_339 = vector.broadcast %transpose3A : vector<128x1xf32> to vector<128x128xf32>
      %add3A_340 = vector.broadcast %slice3A_338 : vector<1x128xf32> to vector<128x128xf32>
      %add3A_341 = arith.addf %add3A_339, %add3A_340 : vector<128x128xf32>
      %add3A_342 = arith.addf %add3A_341, %slice3A_334 : vector<128x128xf32>
      %lt3A_343 = arith.cmpf olt, %add3A_342, %select_n3A_330 : vector<128x128xf32>
      %select_n3A_344 = arith.select %lt3A_343, %add3A_342, %select_n3A_330 : vector<128x128xi1>, vector<128x128xf32>
      %jit3A_345 = arith.constant 23 : i32
      %broadcast_in_dim3A_346 = vector.broadcast %jit3A_345 : i32 to vector<128x128xi32>
      %select_n3A_347 = arith.select %lt3A_343, %broadcast_in_dim3A_346, %select_n3A_333 : vector<128x128xi1>, vector<128x128xi32>
      %slice3A_348 = vector.extract_strided_slice %dot_general3A_16 {offsets = [0, 3072], sizes = [128, 128], strides = [1, 1]} : vector<128x8192xf32> to vector<128x128xf32>
      %get3A_349 = arith.constant 0 : index
      %get3A_350 = arith.constant 0 : index
      %get3A_351 = vector.load %arg4[%get3A_349, %get3A_350] : memref<1x8192xf32, #tpu.memory_space<vmem>>, vector<1x8192xf32>
      %slice3A_352 = vector.extract_strided_slice %get3A_351 {offsets = [0, 3072], sizes = [1, 128], strides = [1, 1]} : vector<1x8192xf32> to vector<1x128xf32>
      %add3A_353 = vector.broadcast %transpose3A : vector<128x1xf32> to vector<128x128xf32>
      %add3A_354 = vector.broadcast %slice3A_352 : vector<1x128xf32> to vector<128x128xf32>
      %add3A_355 = arith.addf %add3A_353, %add3A_354 : vector<128x128xf32>
      %add3A_356 = arith.addf %add3A_355, %slice3A_348 : vector<128x128xf32>
      %lt3A_357 = arith.cmpf olt, %add3A_356, %select_n3A_344 : vector<128x128xf32>
      %select_n3A_358 = arith.select %lt3A_357, %add3A_356, %select_n3A_344 : vector<128x128xi1>, vector<128x128xf32>
      %jit3A_359 = arith.constant 24 : i32
      %broadcast_in_dim3A_360 = vector.broadcast %jit3A_359 : i32 to vector<128x128xi32>
      %select_n3A_361 = arith.select %lt3A_357, %broadcast_in_dim3A_360, %select_n3A_347 : vector<128x128xi1>, vector<128x128xi32>
      %slice3A_362 = vector.extract_strided_slice %dot_general3A_16 {offsets = [0, 3200], sizes = [128, 128], strides = [1, 1]} : vector<128x8192xf32> to vector<128x128xf32>
      %get3A_363 = arith.constant 0 : index
      %get3A_364 = arith.constant 0 : index
      %get3A_365 = vector.load %arg4[%get3A_363, %get3A_364] : memref<1x8192xf32, #tpu.memory_space<vmem>>, vector<1x8192xf32>
      %slice3A_366 = vector.extract_strided_slice %get3A_365 {offsets = [0, 3200], sizes = [1, 128], strides = [1, 1]} : vector<1x8192xf32> to vector<1x128xf32>
      %add3A_367 = vector.broadcast %transpose3A : vector<128x1xf32> to vector<128x128xf32>
      %add3A_368 = vector.broadcast %slice3A_366 : vector<1x128xf32> to vector<128x128xf32>
      %add3A_369 = arith.addf %add3A_367, %add3A_368 : vector<128x128xf32>
      %add3A_370 = arith.addf %add3A_369, %slice3A_362 : vector<128x128xf32>
      %lt3A_371 = arith.cmpf olt, %add3A_370, %select_n3A_358 : vector<128x128xf32>
      %select_n3A_372 = arith.select %lt3A_371, %add3A_370, %select_n3A_358 : vector<128x128xi1>, vector<128x128xf32>
      %jit3A_373 = arith.constant 25 : i32
      %broadcast_in_dim3A_374 = vector.broadcast %jit3A_373 : i32 to vector<128x128xi32>
      %select_n3A_375 = arith.select %lt3A_371, %broadcast_in_dim3A_374, %select_n3A_361 : vector<128x128xi1>, vector<128x128xi32>
      %slice3A_376 = vector.extract_strided_slice %dot_general3A_16 {offsets = [0, 3328], sizes = [128, 128], strides = [1, 1]} : vector<128x8192xf32> to vector<128x128xf32>
      %get3A_377 = arith.constant 0 : index
      %get3A_378 = arith.constant 0 : index
      %get3A_379 = vector.load %arg4[%get3A_377, %get3A_378] : memref<1x8192xf32, #tpu.memory_space<vmem>>, vector<1x8192xf32>
      %slice3A_380 = vector.extract_strided_slice %get3A_379 {offsets = [0, 3328], sizes = [1, 128], strides = [1, 1]} : vector<1x8192xf32> to vector<1x128xf32>
      %add3A_381 = vector.broadcast %transpose3A : vector<128x1xf32> to vector<128x128xf32>
      %add3A_382 = vector.broadcast %slice3A_380 : vector<1x128xf32> to vector<128x128xf32>
      %add3A_383 = arith.addf %add3A_381, %add3A_382 : vector<128x128xf32>
      %add3A_384 = arith.addf %add3A_383, %slice3A_376 : vector<128x128xf32>
      %lt3A_385 = arith.cmpf olt, %add3A_384, %select_n3A_372 : vector<128x128xf32>
      %select_n3A_386 = arith.select %lt3A_385, %add3A_384, %select_n3A_372 : vector<128x128xi1>, vector<128x128xf32>
      %jit3A_387 = arith.constant 26 : i32
      %broadcast_in_dim3A_388 = vector.broadcast %jit3A_387 : i32 to vector<128x128xi32>
      %select_n3A_389 = arith.select %lt3A_385, %broadcast_in_dim3A_388, %select_n3A_375 : vector<128x128xi1>, vector<128x128xi32>
      %slice3A_390 = vector.extract_strided_slice %dot_general3A_16 {offsets = [0, 3456], sizes = [128, 128], strides = [1, 1]} : vector<128x8192xf32> to vector<128x128xf32>
      %get3A_391 = arith.constant 0 : index
      %get3A_392 = arith.constant 0 : index
      %get3A_393 = vector.load %arg4[%get3A_391, %get3A_392] : memref<1x8192xf32, #tpu.memory_space<vmem>>, vector<1x8192xf32>
      %slice3A_394 = vector.extract_strided_slice %get3A_393 {offsets = [0, 3456], sizes = [1, 128], strides = [1, 1]} : vector<1x8192xf32> to vector<1x128xf32>
      %add3A_395 = vector.broadcast %transpose3A : vector<128x1xf32> to vector<128x128xf32>
      %add3A_396 = vector.broadcast %slice3A_394 : vector<1x128xf32> to vector<128x128xf32>
      %add3A_397 = arith.addf %add3A_395, %add3A_396 : vector<128x128xf32>
      %add3A_398 = arith.addf %add3A_397, %slice3A_390 : vector<128x128xf32>
      %lt3A_399 = arith.cmpf olt, %add3A_398, %select_n3A_386 : vector<128x128xf32>
      %select_n3A_400 = arith.select %lt3A_399, %add3A_398, %select_n3A_386 : vector<128x128xi1>, vector<128x128xf32>
      %jit3A_401 = arith.constant 27 : i32
      %broadcast_in_dim3A_402 = vector.broadcast %jit3A_401 : i32 to vector<128x128xi32>
      %select_n3A_403 = arith.select %lt3A_399, %broadcast_in_dim3A_402, %select_n3A_389 : vector<128x128xi1>, vector<128x128xi32>
      %slice3A_404 = vector.extract_strided_slice %dot_general3A_16 {offsets = [0, 3584], sizes = [128, 128], strides = [1, 1]} : vector<128x8192xf32> to vector<128x128xf32>
      %get3A_405 = arith.constant 0 : index
      %get3A_406 = arith.constant 0 : index
      %get3A_407 = vector.load %arg4[%get3A_405, %get3A_406] : memref<1x8192xf32, #tpu.memory_space<vmem>>, vector<1x8192xf32>
      %slice3A_408 = vector.extract_strided_slice %get3A_407 {offsets = [0, 3584], sizes = [1, 128], strides = [1, 1]} : vector<1x8192xf32> to vector<1x128xf32>
      %add3A_409 = vector.broadcast %transpose3A : vector<128x1xf32> to vector<128x128xf32>
      %add3A_410 = vector.broadcast %slice3A_408 : vector<1x128xf32> to vector<128x128xf32>
      %add3A_411 = arith.addf %add3A_409, %add3A_410 : vector<128x128xf32>
      %add3A_412 = arith.addf %add3A_411, %slice3A_404 : vector<128x128xf32>
      %lt3A_413 = arith.cmpf olt, %add3A_412, %select_n3A_400 : vector<128x128xf32>
      %select_n3A_414 = arith.select %lt3A_413, %add3A_412, %select_n3A_400 : vector<128x128xi1>, vector<128x128xf32>
      %jit3A_415 = arith.constant 28 : i32
      %broadcast_in_dim3A_416 = vector.broadcast %jit3A_415 : i32 to vector<128x128xi32>
      %select_n3A_417 = arith.select %lt3A_413, %broadcast_in_dim3A_416, %select_n3A_403 : vector<128x128xi1>, vector<128x128xi32>
      %slice3A_418 = vector.extract_strided_slice %dot_general3A_16 {offsets = [0, 3712], sizes = [128, 128], strides = [1, 1]} : vector<128x8192xf32> to vector<128x128xf32>
      %get3A_419 = arith.constant 0 : index
      %get3A_420 = arith.constant 0 : index
      %get3A_421 = vector.load %arg4[%get3A_419, %get3A_420] : memref<1x8192xf32, #tpu.memory_space<vmem>>, vector<1x8192xf32>
      %slice3A_422 = vector.extract_strided_slice %get3A_421 {offsets = [0, 3712], sizes = [1, 128], strides = [1, 1]} : vector<1x8192xf32> to vector<1x128xf32>
      %add3A_423 = vector.broadcast %transpose3A : vector<128x1xf32> to vector<128x128xf32>
      %add3A_424 = vector.broadcast %slice3A_422 : vector<1x128xf32> to vector<128x128xf32>
      %add3A_425 = arith.addf %add3A_423, %add3A_424 : vector<128x128xf32>
      %add3A_426 = arith.addf %add3A_425, %slice3A_418 : vector<128x128xf32>
      %lt3A_427 = arith.cmpf olt, %add3A_426, %select_n3A_414 : vector<128x128xf32>
      %select_n3A_428 = arith.select %lt3A_427, %add3A_426, %select_n3A_414 : vector<128x128xi1>, vector<128x128xf32>
      %jit3A_429 = arith.constant 29 : i32
      %broadcast_in_dim3A_430 = vector.broadcast %jit3A_429 : i32 to vector<128x128xi32>
      %select_n3A_431 = arith.select %lt3A_427, %broadcast_in_dim3A_430, %select_n3A_417 : vector<128x128xi1>, vector<128x128xi32>
      %slice3A_432 = vector.extract_strided_slice %dot_general3A_16 {offsets = [0, 3840], sizes = [128, 128], strides = [1, 1]} : vector<128x8192xf32> to vector<128x128xf32>
      %get3A_433 = arith.constant 0 : index
      %get3A_434 = arith.constant 0 : index
      %get3A_435 = vector.load %arg4[%get3A_433, %get3A_434] : memref<1x8192xf32, #tpu.memory_space<vmem>>, vector<1x8192xf32>
      %slice3A_436 = vector.extract_strided_slice %get3A_435 {offsets = [0, 3840], sizes = [1, 128], strides = [1, 1]} : vector<1x8192xf32> to vector<1x128xf32>
      %add3A_437 = vector.broadcast %transpose3A : vector<128x1xf32> to vector<128x128xf32>
      %add3A_438 = vector.broadcast %slice3A_436 : vector<1x128xf32> to vector<128x128xf32>
      %add3A_439 = arith.addf %add3A_437, %add3A_438 : vector<128x128xf32>
      %add3A_440 = arith.addf %add3A_439, %slice3A_432 : vector<128x128xf32>
      %lt3A_441 = arith.cmpf olt, %add3A_440, %select_n3A_428 : vector<128x128xf32>
      %select_n3A_442 = arith.select %lt3A_441, %add3A_440, %select_n3A_428 : vector<128x128xi1>, vector<128x128xf32>
      %jit3A_443 = arith.constant 30 : i32
      %broadcast_in_dim3A_444 = vector.broadcast %jit3A_443 : i32 to vector<128x128xi32>
      %select_n3A_445 = arith.select %lt3A_441, %broadcast_in_dim3A_444, %select_n3A_431 : vector<128x128xi1>, vector<128x128xi32>
      %slice3A_446 = vector.extract_strided_slice %dot_general3A_16 {offsets = [0, 3968], sizes = [128, 128], strides = [1, 1]} : vector<128x8192xf32> to vector<128x128xf32>
      %get3A_447 = arith.constant 0 : index
      %get3A_448 = arith.constant 0 : index
      %get3A_449 = vector.load %arg4[%get3A_447, %get3A_448] : memref<1x8192xf32, #tpu.memory_space<vmem>>, vector<1x8192xf32>
      %slice3A_450 = vector.extract_strided_slice %get3A_449 {offsets = [0, 3968], sizes = [1, 128], strides = [1, 1]} : vector<1x8192xf32> to vector<1x128xf32>
      %add3A_451 = vector.broadcast %transpose3A : vector<128x1xf32> to vector<128x128xf32>
      %add3A_452 = vector.broadcast %slice3A_450 : vector<1x128xf32> to vector<128x128xf32>
      %add3A_453 = arith.addf %add3A_451, %add3A_452 : vector<128x128xf32>
      %add3A_454 = arith.addf %add3A_453, %slice3A_446 : vector<128x128xf32>
      %lt3A_455 = arith.cmpf olt, %add3A_454, %select_n3A_442 : vector<128x128xf32>
      %select_n3A_456 = arith.select %lt3A_455, %add3A_454, %select_n3A_442 : vector<128x128xi1>, vector<128x128xf32>
      %jit3A_457 = arith.constant 31 : i32
      %broadcast_in_dim3A_458 = vector.broadcast %jit3A_457 : i32 to vector<128x128xi32>
      %select_n3A_459 = arith.select %lt3A_455, %broadcast_in_dim3A_458, %select_n3A_445 : vector<128x128xi1>, vector<128x128xi32>
      %slice3A_460 = vector.extract_strided_slice %dot_general3A_16 {offsets = [0, 4096], sizes = [128, 128], strides = [1, 1]} : vector<128x8192xf32> to vector<128x128xf32>
      %get3A_461 = arith.constant 0 : index
      %get3A_462 = arith.constant 0 : index
      %get3A_463 = vector.load %arg4[%get3A_461, %get3A_462] : memref<1x8192xf32, #tpu.memory_space<vmem>>, vector<1x8192xf32>
      %slice3A_464 = vector.extract_strided_slice %get3A_463 {offsets = [0, 4096], sizes = [1, 128], strides = [1, 1]} : vector<1x8192xf32> to vector<1x128xf32>
      %add3A_465 = vector.broadcast %transpose3A : vector<128x1xf32> to vector<128x128xf32>
      %add3A_466 = vector.broadcast %slice3A_464 : vector<1x128xf32> to vector<128x128xf32>
      %add3A_467 = arith.addf %add3A_465, %add3A_466 : vector<128x128xf32>
      %add3A_468 = arith.addf %add3A_467, %slice3A_460 : vector<128x128xf32>
      %lt3A_469 = arith.cmpf olt, %add3A_468, %select_n3A_456 : vector<128x128xf32>
      %select_n3A_470 = arith.select %lt3A_469, %add3A_468, %select_n3A_456 : vector<128x128xi1>, vector<128x128xf32>
      %jit3A_471 = arith.constant 32 : i32
      %broadcast_in_dim3A_472 = vector.broadcast %jit3A_471 : i32 to vector<128x128xi32>
      %select_n3A_473 = arith.select %lt3A_469, %broadcast_in_dim3A_472, %select_n3A_459 : vector<128x128xi1>, vector<128x128xi32>
      %slice3A_474 = vector.extract_strided_slice %dot_general3A_16 {offsets = [0, 4224], sizes = [128, 128], strides = [1, 1]} : vector<128x8192xf32> to vector<128x128xf32>
      %get3A_475 = arith.constant 0 : index
      %get3A_476 = arith.constant 0 : index
      %get3A_477 = vector.load %arg4[%get3A_475, %get3A_476] : memref<1x8192xf32, #tpu.memory_space<vmem>>, vector<1x8192xf32>
      %slice3A_478 = vector.extract_strided_slice %get3A_477 {offsets = [0, 4224], sizes = [1, 128], strides = [1, 1]} : vector<1x8192xf32> to vector<1x128xf32>
      %add3A_479 = vector.broadcast %transpose3A : vector<128x1xf32> to vector<128x128xf32>
      %add3A_480 = vector.broadcast %slice3A_478 : vector<1x128xf32> to vector<128x128xf32>
      %add3A_481 = arith.addf %add3A_479, %add3A_480 : vector<128x128xf32>
      %add3A_482 = arith.addf %add3A_481, %slice3A_474 : vector<128x128xf32>
      %lt3A_483 = arith.cmpf olt, %add3A_482, %select_n3A_470 : vector<128x128xf32>
      %select_n3A_484 = arith.select %lt3A_483, %add3A_482, %select_n3A_470 : vector<128x128xi1>, vector<128x128xf32>
      %jit3A_485 = arith.constant 33 : i32
      %broadcast_in_dim3A_486 = vector.broadcast %jit3A_485 : i32 to vector<128x128xi32>
      %select_n3A_487 = arith.select %lt3A_483, %broadcast_in_dim3A_486, %select_n3A_473 : vector<128x128xi1>, vector<128x128xi32>
      %slice3A_488 = vector.extract_strided_slice %dot_general3A_16 {offsets = [0, 4352], sizes = [128, 128], strides = [1, 1]} : vector<128x8192xf32> to vector<128x128xf32>
      %get3A_489 = arith.constant 0 : index
      %get3A_490 = arith.constant 0 : index
      %get3A_491 = vector.load %arg4[%get3A_489, %get3A_490] : memref<1x8192xf32, #tpu.memory_space<vmem>>, vector<1x8192xf32>
      %slice3A_492 = vector.extract_strided_slice %get3A_491 {offsets = [0, 4352], sizes = [1, 128], strides = [1, 1]} : vector<1x8192xf32> to vector<1x128xf32>
      %add3A_493 = vector.broadcast %transpose3A : vector<128x1xf32> to vector<128x128xf32>
      %add3A_494 = vector.broadcast %slice3A_492 : vector<1x128xf32> to vector<128x128xf32>
      %add3A_495 = arith.addf %add3A_493, %add3A_494 : vector<128x128xf32>
      %add3A_496 = arith.addf %add3A_495, %slice3A_488 : vector<128x128xf32>
      %lt3A_497 = arith.cmpf olt, %add3A_496, %select_n3A_484 : vector<128x128xf32>
      %select_n3A_498 = arith.select %lt3A_497, %add3A_496, %select_n3A_484 : vector<128x128xi1>, vector<128x128xf32>
      %jit3A_499 = arith.constant 34 : i32
      %broadcast_in_dim3A_500 = vector.broadcast %jit3A_499 : i32 to vector<128x128xi32>
      %select_n3A_501 = arith.select %lt3A_497, %broadcast_in_dim3A_500, %select_n3A_487 : vector<128x128xi1>, vector<128x128xi32>
      %slice3A_502 = vector.extract_strided_slice %dot_general3A_16 {offsets = [0, 4480], sizes = [128, 128], strides = [1, 1]} : vector<128x8192xf32> to vector<128x128xf32>
      %get3A_503 = arith.constant 0 : index
      %get3A_504 = arith.constant 0 : index
      %get3A_505 = vector.load %arg4[%get3A_503, %get3A_504] : memref<1x8192xf32, #tpu.memory_space<vmem>>, vector<1x8192xf32>
      %slice3A_506 = vector.extract_strided_slice %get3A_505 {offsets = [0, 4480], sizes = [1, 128], strides = [1, 1]} : vector<1x8192xf32> to vector<1x128xf32>
      %add3A_507 = vector.broadcast %transpose3A : vector<128x1xf32> to vector<128x128xf32>
      %add3A_508 = vector.broadcast %slice3A_506 : vector<1x128xf32> to vector<128x128xf32>
      %add3A_509 = arith.addf %add3A_507, %add3A_508 : vector<128x128xf32>
      %add3A_510 = arith.addf %add3A_509, %slice3A_502 : vector<128x128xf32>
      %lt3A_511 = arith.cmpf olt, %add3A_510, %select_n3A_498 : vector<128x128xf32>
      %select_n3A_512 = arith.select %lt3A_511, %add3A_510, %select_n3A_498 : vector<128x128xi1>, vector<128x128xf32>
      %jit3A_513 = arith.constant 35 : i32
      %broadcast_in_dim3A_514 = vector.broadcast %jit3A_513 : i32 to vector<128x128xi32>
      %select_n3A_515 = arith.select %lt3A_511, %broadcast_in_dim3A_514, %select_n3A_501 : vector<128x128xi1>, vector<128x128xi32>
      %slice3A_516 = vector.extract_strided_slice %dot_general3A_16 {offsets = [0, 4608], sizes = [128, 128], strides = [1, 1]} : vector<128x8192xf32> to vector<128x128xf32>
      %get3A_517 = arith.constant 0 : index
      %get3A_518 = arith.constant 0 : index
      %get3A_519 = vector.load %arg4[%get3A_517, %get3A_518] : memref<1x8192xf32, #tpu.memory_space<vmem>>, vector<1x8192xf32>
      %slice3A_520 = vector.extract_strided_slice %get3A_519 {offsets = [0, 4608], sizes = [1, 128], strides = [1, 1]} : vector<1x8192xf32> to vector<1x128xf32>
      %add3A_521 = vector.broadcast %transpose3A : vector<128x1xf32> to vector<128x128xf32>
      %add3A_522 = vector.broadcast %slice3A_520 : vector<1x128xf32> to vector<128x128xf32>
      %add3A_523 = arith.addf %add3A_521, %add3A_522 : vector<128x128xf32>
      %add3A_524 = arith.addf %add3A_523, %slice3A_516 : vector<128x128xf32>
      %lt3A_525 = arith.cmpf olt, %add3A_524, %select_n3A_512 : vector<128x128xf32>
      %select_n3A_526 = arith.select %lt3A_525, %add3A_524, %select_n3A_512 : vector<128x128xi1>, vector<128x128xf32>
      %jit3A_527 = arith.constant 36 : i32
      %broadcast_in_dim3A_528 = vector.broadcast %jit3A_527 : i32 to vector<128x128xi32>
      %select_n3A_529 = arith.select %lt3A_525, %broadcast_in_dim3A_528, %select_n3A_515 : vector<128x128xi1>, vector<128x128xi32>
      %slice3A_530 = vector.extract_strided_slice %dot_general3A_16 {offsets = [0, 4736], sizes = [128, 128], strides = [1, 1]} : vector<128x8192xf32> to vector<128x128xf32>
      %get3A_531 = arith.constant 0 : index
      %get3A_532 = arith.constant 0 : index
      %get3A_533 = vector.load %arg4[%get3A_531, %get3A_532] : memref<1x8192xf32, #tpu.memory_space<vmem>>, vector<1x8192xf32>
      %slice3A_534 = vector.extract_strided_slice %get3A_533 {offsets = [0, 4736], sizes = [1, 128], strides = [1, 1]} : vector<1x8192xf32> to vector<1x128xf32>
      %add3A_535 = vector.broadcast %transpose3A : vector<128x1xf32> to vector<128x128xf32>
      %add3A_536 = vector.broadcast %slice3A_534 : vector<1x128xf32> to vector<128x128xf32>
      %add3A_537 = arith.addf %add3A_535, %add3A_536 : vector<128x128xf32>
      %add3A_538 = arith.addf %add3A_537, %slice3A_530 : vector<128x128xf32>
      %lt3A_539 = arith.cmpf olt, %add3A_538, %select_n3A_526 : vector<128x128xf32>
      %select_n3A_540 = arith.select %lt3A_539, %add3A_538, %select_n3A_526 : vector<128x128xi1>, vector<128x128xf32>
      %jit3A_541 = arith.constant 37 : i32
      %broadcast_in_dim3A_542 = vector.broadcast %jit3A_541 : i32 to vector<128x128xi32>
      %select_n3A_543 = arith.select %lt3A_539, %broadcast_in_dim3A_542, %select_n3A_529 : vector<128x128xi1>, vector<128x128xi32>
      %slice3A_544 = vector.extract_strided_slice %dot_general3A_16 {offsets = [0, 4864], sizes = [128, 128], strides = [1, 1]} : vector<128x8192xf32> to vector<128x128xf32>
      %get3A_545 = arith.constant 0 : index
      %get3A_546 = arith.constant 0 : index
      %get3A_547 = vector.load %arg4[%get3A_545, %get3A_546] : memref<1x8192xf32, #tpu.memory_space<vmem>>, vector<1x8192xf32>
      %slice3A_548 = vector.extract_strided_slice %get3A_547 {offsets = [0, 4864], sizes = [1, 128], strides = [1, 1]} : vector<1x8192xf32> to vector<1x128xf32>
      %add3A_549 = vector.broadcast %transpose3A : vector<128x1xf32> to vector<128x128xf32>
      %add3A_550 = vector.broadcast %slice3A_548 : vector<1x128xf32> to vector<128x128xf32>
      %add3A_551 = arith.addf %add3A_549, %add3A_550 : vector<128x128xf32>
      %add3A_552 = arith.addf %add3A_551, %slice3A_544 : vector<128x128xf32>
      %lt3A_553 = arith.cmpf olt, %add3A_552, %select_n3A_540 : vector<128x128xf32>
      %select_n3A_554 = arith.select %lt3A_553, %add3A_552, %select_n3A_540 : vector<128x128xi1>, vector<128x128xf32>
      %jit3A_555 = arith.constant 38 : i32
      %broadcast_in_dim3A_556 = vector.broadcast %jit3A_555 : i32 to vector<128x128xi32>
      %select_n3A_557 = arith.select %lt3A_553, %broadcast_in_dim3A_556, %select_n3A_543 : vector<128x128xi1>, vector<128x128xi32>
      %slice3A_558 = vector.extract_strided_slice %dot_general3A_16 {offsets = [0, 4992], sizes = [128, 128], strides = [1, 1]} : vector<128x8192xf32> to vector<128x128xf32>
      %get3A_559 = arith.constant 0 : index
      %get3A_560 = arith.constant 0 : index
      %get3A_561 = vector.load %arg4[%get3A_559, %get3A_560] : memref<1x8192xf32, #tpu.memory_space<vmem>>, vector<1x8192xf32>
      %slice3A_562 = vector.extract_strided_slice %get3A_561 {offsets = [0, 4992], sizes = [1, 128], strides = [1, 1]} : vector<1x8192xf32> to vector<1x128xf32>
      %add3A_563 = vector.broadcast %transpose3A : vector<128x1xf32> to vector<128x128xf32>
      %add3A_564 = vector.broadcast %slice3A_562 : vector<1x128xf32> to vector<128x128xf32>
      %add3A_565 = arith.addf %add3A_563, %add3A_564 : vector<128x128xf32>
      %add3A_566 = arith.addf %add3A_565, %slice3A_558 : vector<128x128xf32>
      %lt3A_567 = arith.cmpf olt, %add3A_566, %select_n3A_554 : vector<128x128xf32>
      %select_n3A_568 = arith.select %lt3A_567, %add3A_566, %select_n3A_554 : vector<128x128xi1>, vector<128x128xf32>
      %jit3A_569 = arith.constant 39 : i32
      %broadcast_in_dim3A_570 = vector.broadcast %jit3A_569 : i32 to vector<128x128xi32>
      %select_n3A_571 = arith.select %lt3A_567, %broadcast_in_dim3A_570, %select_n3A_557 : vector<128x128xi1>, vector<128x128xi32>
      %slice3A_572 = vector.extract_strided_slice %dot_general3A_16 {offsets = [0, 5120], sizes = [128, 128], strides = [1, 1]} : vector<128x8192xf32> to vector<128x128xf32>
      %get3A_573 = arith.constant 0 : index
      %get3A_574 = arith.constant 0 : index
      %get3A_575 = vector.load %arg4[%get3A_573, %get3A_574] : memref<1x8192xf32, #tpu.memory_space<vmem>>, vector<1x8192xf32>
      %slice3A_576 = vector.extract_strided_slice %get3A_575 {offsets = [0, 5120], sizes = [1, 128], strides = [1, 1]} : vector<1x8192xf32> to vector<1x128xf32>
      %add3A_577 = vector.broadcast %transpose3A : vector<128x1xf32> to vector<128x128xf32>
      %add3A_578 = vector.broadcast %slice3A_576 : vector<1x128xf32> to vector<128x128xf32>
      %add3A_579 = arith.addf %add3A_577, %add3A_578 : vector<128x128xf32>
      %add3A_580 = arith.addf %add3A_579, %slice3A_572 : vector<128x128xf32>
      %lt3A_581 = arith.cmpf olt, %add3A_580, %select_n3A_568 : vector<128x128xf32>
      %select_n3A_582 = arith.select %lt3A_581, %add3A_580, %select_n3A_568 : vector<128x128xi1>, vector<128x128xf32>
      %jit3A_583 = arith.constant 40 : i32
      %broadcast_in_dim3A_584 = vector.broadcast %jit3A_583 : i32 to vector<128x128xi32>
      %select_n3A_585 = arith.select %lt3A_581, %broadcast_in_dim3A_584, %select_n3A_571 : vector<128x128xi1>, vector<128x128xi32>
      %slice3A_586 = vector.extract_strided_slice %dot_general3A_16 {offsets = [0, 5248], sizes = [128, 128], strides = [1, 1]} : vector<128x8192xf32> to vector<128x128xf32>
      %get3A_587 = arith.constant 0 : index
      %get3A_588 = arith.constant 0 : index
      %get3A_589 = vector.load %arg4[%get3A_587, %get3A_588] : memref<1x8192xf32, #tpu.memory_space<vmem>>, vector<1x8192xf32>
      %slice3A_590 = vector.extract_strided_slice %get3A_589 {offsets = [0, 5248], sizes = [1, 128], strides = [1, 1]} : vector<1x8192xf32> to vector<1x128xf32>
      %add3A_591 = vector.broadcast %transpose3A : vector<128x1xf32> to vector<128x128xf32>
      %add3A_592 = vector.broadcast %slice3A_590 : vector<1x128xf32> to vector<128x128xf32>
      %add3A_593 = arith.addf %add3A_591, %add3A_592 : vector<128x128xf32>
      %add3A_594 = arith.addf %add3A_593, %slice3A_586 : vector<128x128xf32>
      %lt3A_595 = arith.cmpf olt, %add3A_594, %select_n3A_582 : vector<128x128xf32>
      %select_n3A_596 = arith.select %lt3A_595, %add3A_594, %select_n3A_582 : vector<128x128xi1>, vector<128x128xf32>
      %jit3A_597 = arith.constant 41 : i32
      %broadcast_in_dim3A_598 = vector.broadcast %jit3A_597 : i32 to vector<128x128xi32>
      %select_n3A_599 = arith.select %lt3A_595, %broadcast_in_dim3A_598, %select_n3A_585 : vector<128x128xi1>, vector<128x128xi32>
      %slice3A_600 = vector.extract_strided_slice %dot_general3A_16 {offsets = [0, 5376], sizes = [128, 128], strides = [1, 1]} : vector<128x8192xf32> to vector<128x128xf32>
      %get3A_601 = arith.constant 0 : index
      %get3A_602 = arith.constant 0 : index
      %get3A_603 = vector.load %arg4[%get3A_601, %get3A_602] : memref<1x8192xf32, #tpu.memory_space<vmem>>, vector<1x8192xf32>
      %slice3A_604 = vector.extract_strided_slice %get3A_603 {offsets = [0, 5376], sizes = [1, 128], strides = [1, 1]} : vector<1x8192xf32> to vector<1x128xf32>
      %add3A_605 = vector.broadcast %transpose3A : vector<128x1xf32> to vector<128x128xf32>
      %add3A_606 = vector.broadcast %slice3A_604 : vector<1x128xf32> to vector<128x128xf32>
      %add3A_607 = arith.addf %add3A_605, %add3A_606 : vector<128x128xf32>
      %add3A_608 = arith.addf %add3A_607, %slice3A_600 : vector<128x128xf32>
      %lt3A_609 = arith.cmpf olt, %add3A_608, %select_n3A_596 : vector<128x128xf32>
      %select_n3A_610 = arith.select %lt3A_609, %add3A_608, %select_n3A_596 : vector<128x128xi1>, vector<128x128xf32>
      %jit3A_611 = arith.constant 42 : i32
      %broadcast_in_dim3A_612 = vector.broadcast %jit3A_611 : i32 to vector<128x128xi32>
      %select_n3A_613 = arith.select %lt3A_609, %broadcast_in_dim3A_612, %select_n3A_599 : vector<128x128xi1>, vector<128x128xi32>
      %slice3A_614 = vector.extract_strided_slice %dot_general3A_16 {offsets = [0, 5504], sizes = [128, 128], strides = [1, 1]} : vector<128x8192xf32> to vector<128x128xf32>
      %get3A_615 = arith.constant 0 : index
      %get3A_616 = arith.constant 0 : index
      %get3A_617 = vector.load %arg4[%get3A_615, %get3A_616] : memref<1x8192xf32, #tpu.memory_space<vmem>>, vector<1x8192xf32>
      %slice3A_618 = vector.extract_strided_slice %get3A_617 {offsets = [0, 5504], sizes = [1, 128], strides = [1, 1]} : vector<1x8192xf32> to vector<1x128xf32>
      %add3A_619 = vector.broadcast %transpose3A : vector<128x1xf32> to vector<128x128xf32>
      %add3A_620 = vector.broadcast %slice3A_618 : vector<1x128xf32> to vector<128x128xf32>
      %add3A_621 = arith.addf %add3A_619, %add3A_620 : vector<128x128xf32>
      %add3A_622 = arith.addf %add3A_621, %slice3A_614 : vector<128x128xf32>
      %lt3A_623 = arith.cmpf olt, %add3A_622, %select_n3A_610 : vector<128x128xf32>
      %select_n3A_624 = arith.select %lt3A_623, %add3A_622, %select_n3A_610 : vector<128x128xi1>, vector<128x128xf32>
      %jit3A_625 = arith.constant 43 : i32
      %broadcast_in_dim3A_626 = vector.broadcast %jit3A_625 : i32 to vector<128x128xi32>
      %select_n3A_627 = arith.select %lt3A_623, %broadcast_in_dim3A_626, %select_n3A_613 : vector<128x128xi1>, vector<128x128xi32>
      %slice3A_628 = vector.extract_strided_slice %dot_general3A_16 {offsets = [0, 5632], sizes = [128, 128], strides = [1, 1]} : vector<128x8192xf32> to vector<128x128xf32>
      %get3A_629 = arith.constant 0 : index
      %get3A_630 = arith.constant 0 : index
      %get3A_631 = vector.load %arg4[%get3A_629, %get3A_630] : memref<1x8192xf32, #tpu.memory_space<vmem>>, vector<1x8192xf32>
      %slice3A_632 = vector.extract_strided_slice %get3A_631 {offsets = [0, 5632], sizes = [1, 128], strides = [1, 1]} : vector<1x8192xf32> to vector<1x128xf32>
      %add3A_633 = vector.broadcast %transpose3A : vector<128x1xf32> to vector<128x128xf32>
      %add3A_634 = vector.broadcast %slice3A_632 : vector<1x128xf32> to vector<128x128xf32>
      %add3A_635 = arith.addf %add3A_633, %add3A_634 : vector<128x128xf32>
      %add3A_636 = arith.addf %add3A_635, %slice3A_628 : vector<128x128xf32>
      %lt3A_637 = arith.cmpf olt, %add3A_636, %select_n3A_624 : vector<128x128xf32>
      %select_n3A_638 = arith.select %lt3A_637, %add3A_636, %select_n3A_624 : vector<128x128xi1>, vector<128x128xf32>
      %jit3A_639 = arith.constant 44 : i32
      %broadcast_in_dim3A_640 = vector.broadcast %jit3A_639 : i32 to vector<128x128xi32>
      %select_n3A_641 = arith.select %lt3A_637, %broadcast_in_dim3A_640, %select_n3A_627 : vector<128x128xi1>, vector<128x128xi32>
      %slice3A_642 = vector.extract_strided_slice %dot_general3A_16 {offsets = [0, 5760], sizes = [128, 128], strides = [1, 1]} : vector<128x8192xf32> to vector<128x128xf32>
      %get3A_643 = arith.constant 0 : index
      %get3A_644 = arith.constant 0 : index
      %get3A_645 = vector.load %arg4[%get3A_643, %get3A_644] : memref<1x8192xf32, #tpu.memory_space<vmem>>, vector<1x8192xf32>
      %slice3A_646 = vector.extract_strided_slice %get3A_645 {offsets = [0, 5760], sizes = [1, 128], strides = [1, 1]} : vector<1x8192xf32> to vector<1x128xf32>
      %add3A_647 = vector.broadcast %transpose3A : vector<128x1xf32> to vector<128x128xf32>
      %add3A_648 = vector.broadcast %slice3A_646 : vector<1x128xf32> to vector<128x128xf32>
      %add3A_649 = arith.addf %add3A_647, %add3A_648 : vector<128x128xf32>
      %add3A_650 = arith.addf %add3A_649, %slice3A_642 : vector<128x128xf32>
      %lt3A_651 = arith.cmpf olt, %add3A_650, %select_n3A_638 : vector<128x128xf32>
      %select_n3A_652 = arith.select %lt3A_651, %add3A_650, %select_n3A_638 : vector<128x128xi1>, vector<128x128xf32>
      %jit3A_653 = arith.constant 45 : i32
      %broadcast_in_dim3A_654 = vector.broadcast %jit3A_653 : i32 to vector<128x128xi32>
      %select_n3A_655 = arith.select %lt3A_651, %broadcast_in_dim3A_654, %select_n3A_641 : vector<128x128xi1>, vector<128x128xi32>
      %slice3A_656 = vector.extract_strided_slice %dot_general3A_16 {offsets = [0, 5888], sizes = [128, 128], strides = [1, 1]} : vector<128x8192xf32> to vector<128x128xf32>
      %get3A_657 = arith.constant 0 : index
      %get3A_658 = arith.constant 0 : index
      %get3A_659 = vector.load %arg4[%get3A_657, %get3A_658] : memref<1x8192xf32, #tpu.memory_space<vmem>>, vector<1x8192xf32>
      %slice3A_660 = vector.extract_strided_slice %get3A_659 {offsets = [0, 5888], sizes = [1, 128], strides = [1, 1]} : vector<1x8192xf32> to vector<1x128xf32>
      %add3A_661 = vector.broadcast %transpose3A : vector<128x1xf32> to vector<128x128xf32>
      %add3A_662 = vector.broadcast %slice3A_660 : vector<1x128xf32> to vector<128x128xf32>
      %add3A_663 = arith.addf %add3A_661, %add3A_662 : vector<128x128xf32>
      %add3A_664 = arith.addf %add3A_663, %slice3A_656 : vector<128x128xf32>
      %lt3A_665 = arith.cmpf olt, %add3A_664, %select_n3A_652 : vector<128x128xf32>
      %select_n3A_666 = arith.select %lt3A_665, %add3A_664, %select_n3A_652 : vector<128x128xi1>, vector<128x128xf32>
      %jit3A_667 = arith.constant 46 : i32
      %broadcast_in_dim3A_668 = vector.broadcast %jit3A_667 : i32 to vector<128x128xi32>
      %select_n3A_669 = arith.select %lt3A_665, %broadcast_in_dim3A_668, %select_n3A_655 : vector<128x128xi1>, vector<128x128xi32>
      %slice3A_670 = vector.extract_strided_slice %dot_general3A_16 {offsets = [0, 6016], sizes = [128, 128], strides = [1, 1]} : vector<128x8192xf32> to vector<128x128xf32>
      %get3A_671 = arith.constant 0 : index
      %get3A_672 = arith.constant 0 : index
      %get3A_673 = vector.load %arg4[%get3A_671, %get3A_672] : memref<1x8192xf32, #tpu.memory_space<vmem>>, vector<1x8192xf32>
      %slice3A_674 = vector.extract_strided_slice %get3A_673 {offsets = [0, 6016], sizes = [1, 128], strides = [1, 1]} : vector<1x8192xf32> to vector<1x128xf32>
      %add3A_675 = vector.broadcast %transpose3A : vector<128x1xf32> to vector<128x128xf32>
      %add3A_676 = vector.broadcast %slice3A_674 : vector<1x128xf32> to vector<128x128xf32>
      %add3A_677 = arith.addf %add3A_675, %add3A_676 : vector<128x128xf32>
      %add3A_678 = arith.addf %add3A_677, %slice3A_670 : vector<128x128xf32>
      %lt3A_679 = arith.cmpf olt, %add3A_678, %select_n3A_666 : vector<128x128xf32>
      %select_n3A_680 = arith.select %lt3A_679, %add3A_678, %select_n3A_666 : vector<128x128xi1>, vector<128x128xf32>
      %jit3A_681 = arith.constant 47 : i32
      %broadcast_in_dim3A_682 = vector.broadcast %jit3A_681 : i32 to vector<128x128xi32>
      %select_n3A_683 = arith.select %lt3A_679, %broadcast_in_dim3A_682, %select_n3A_669 : vector<128x128xi1>, vector<128x128xi32>
      %slice3A_684 = vector.extract_strided_slice %dot_general3A_16 {offsets = [0, 6144], sizes = [128, 128], strides = [1, 1]} : vector<128x8192xf32> to vector<128x128xf32>
      %get3A_685 = arith.constant 0 : index
      %get3A_686 = arith.constant 0 : index
      %get3A_687 = vector.load %arg4[%get3A_685, %get3A_686] : memref<1x8192xf32, #tpu.memory_space<vmem>>, vector<1x8192xf32>
      %slice3A_688 = vector.extract_strided_slice %get3A_687 {offsets = [0, 6144], sizes = [1, 128], strides = [1, 1]} : vector<1x8192xf32> to vector<1x128xf32>
      %add3A_689 = vector.broadcast %transpose3A : vector<128x1xf32> to vector<128x128xf32>
      %add3A_690 = vector.broadcast %slice3A_688 : vector<1x128xf32> to vector<128x128xf32>
      %add3A_691 = arith.addf %add3A_689, %add3A_690 : vector<128x128xf32>
      %add3A_692 = arith.addf %add3A_691, %slice3A_684 : vector<128x128xf32>
      %lt3A_693 = arith.cmpf olt, %add3A_692, %select_n3A_680 : vector<128x128xf32>
      %select_n3A_694 = arith.select %lt3A_693, %add3A_692, %select_n3A_680 : vector<128x128xi1>, vector<128x128xf32>
      %jit3A_695 = arith.constant 48 : i32
      %broadcast_in_dim3A_696 = vector.broadcast %jit3A_695 : i32 to vector<128x128xi32>
      %select_n3A_697 = arith.select %lt3A_693, %broadcast_in_dim3A_696, %select_n3A_683 : vector<128x128xi1>, vector<128x128xi32>
      %slice3A_698 = vector.extract_strided_slice %dot_general3A_16 {offsets = [0, 6272], sizes = [128, 128], strides = [1, 1]} : vector<128x8192xf32> to vector<128x128xf32>
      %get3A_699 = arith.constant 0 : index
      %get3A_700 = arith.constant 0 : index
      %get3A_701 = vector.load %arg4[%get3A_699, %get3A_700] : memref<1x8192xf32, #tpu.memory_space<vmem>>, vector<1x8192xf32>
      %slice3A_702 = vector.extract_strided_slice %get3A_701 {offsets = [0, 6272], sizes = [1, 128], strides = [1, 1]} : vector<1x8192xf32> to vector<1x128xf32>
      %add3A_703 = vector.broadcast %transpose3A : vector<128x1xf32> to vector<128x128xf32>
      %add3A_704 = vector.broadcast %slice3A_702 : vector<1x128xf32> to vector<128x128xf32>
      %add3A_705 = arith.addf %add3A_703, %add3A_704 : vector<128x128xf32>
      %add3A_706 = arith.addf %add3A_705, %slice3A_698 : vector<128x128xf32>
      %lt3A_707 = arith.cmpf olt, %add3A_706, %select_n3A_694 : vector<128x128xf32>
      %select_n3A_708 = arith.select %lt3A_707, %add3A_706, %select_n3A_694 : vector<128x128xi1>, vector<128x128xf32>
      %jit3A_709 = arith.constant 49 : i32
      %broadcast_in_dim3A_710 = vector.broadcast %jit3A_709 : i32 to vector<128x128xi32>
      %select_n3A_711 = arith.select %lt3A_707, %broadcast_in_dim3A_710, %select_n3A_697 : vector<128x128xi1>, vector<128x128xi32>
      %slice3A_712 = vector.extract_strided_slice %dot_general3A_16 {offsets = [0, 6400], sizes = [128, 128], strides = [1, 1]} : vector<128x8192xf32> to vector<128x128xf32>
      %get3A_713 = arith.constant 0 : index
      %get3A_714 = arith.constant 0 : index
      %get3A_715 = vector.load %arg4[%get3A_713, %get3A_714] : memref<1x8192xf32, #tpu.memory_space<vmem>>, vector<1x8192xf32>
      %slice3A_716 = vector.extract_strided_slice %get3A_715 {offsets = [0, 6400], sizes = [1, 128], strides = [1, 1]} : vector<1x8192xf32> to vector<1x128xf32>
      %add3A_717 = vector.broadcast %transpose3A : vector<128x1xf32> to vector<128x128xf32>
      %add3A_718 = vector.broadcast %slice3A_716 : vector<1x128xf32> to vector<128x128xf32>
      %add3A_719 = arith.addf %add3A_717, %add3A_718 : vector<128x128xf32>
      %add3A_720 = arith.addf %add3A_719, %slice3A_712 : vector<128x128xf32>
      %lt3A_721 = arith.cmpf olt, %add3A_720, %select_n3A_708 : vector<128x128xf32>
      %select_n3A_722 = arith.select %lt3A_721, %add3A_720, %select_n3A_708 : vector<128x128xi1>, vector<128x128xf32>
      %jit3A_723 = arith.constant 50 : i32
      %broadcast_in_dim3A_724 = vector.broadcast %jit3A_723 : i32 to vector<128x128xi32>
      %select_n3A_725 = arith.select %lt3A_721, %broadcast_in_dim3A_724, %select_n3A_711 : vector<128x128xi1>, vector<128x128xi32>
      %slice3A_726 = vector.extract_strided_slice %dot_general3A_16 {offsets = [0, 6528], sizes = [128, 128], strides = [1, 1]} : vector<128x8192xf32> to vector<128x128xf32>
      %get3A_727 = arith.constant 0 : index
      %get3A_728 = arith.constant 0 : index
      %get3A_729 = vector.load %arg4[%get3A_727, %get3A_728] : memref<1x8192xf32, #tpu.memory_space<vmem>>, vector<1x8192xf32>
      %slice3A_730 = vector.extract_strided_slice %get3A_729 {offsets = [0, 6528], sizes = [1, 128], strides = [1, 1]} : vector<1x8192xf32> to vector<1x128xf32>
      %add3A_731 = vector.broadcast %transpose3A : vector<128x1xf32> to vector<128x128xf32>
      %add3A_732 = vector.broadcast %slice3A_730 : vector<1x128xf32> to vector<128x128xf32>
      %add3A_733 = arith.addf %add3A_731, %add3A_732 : vector<128x128xf32>
      %add3A_734 = arith.addf %add3A_733, %slice3A_726 : vector<128x128xf32>
      %lt3A_735 = arith.cmpf olt, %add3A_734, %select_n3A_722 : vector<128x128xf32>
      %select_n3A_736 = arith.select %lt3A_735, %add3A_734, %select_n3A_722 : vector<128x128xi1>, vector<128x128xf32>
      %jit3A_737 = arith.constant 51 : i32
      %broadcast_in_dim3A_738 = vector.broadcast %jit3A_737 : i32 to vector<128x128xi32>
      %select_n3A_739 = arith.select %lt3A_735, %broadcast_in_dim3A_738, %select_n3A_725 : vector<128x128xi1>, vector<128x128xi32>
      %slice3A_740 = vector.extract_strided_slice %dot_general3A_16 {offsets = [0, 6656], sizes = [128, 128], strides = [1, 1]} : vector<128x8192xf32> to vector<128x128xf32>
      %get3A_741 = arith.constant 0 : index
      %get3A_742 = arith.constant 0 : index
      %get3A_743 = vector.load %arg4[%get3A_741, %get3A_742] : memref<1x8192xf32, #tpu.memory_space<vmem>>, vector<1x8192xf32>
      %slice3A_744 = vector.extract_strided_slice %get3A_743 {offsets = [0, 6656], sizes = [1, 128], strides = [1, 1]} : vector<1x8192xf32> to vector<1x128xf32>
      %add3A_745 = vector.broadcast %transpose3A : vector<128x1xf32> to vector<128x128xf32>
      %add3A_746 = vector.broadcast %slice3A_744 : vector<1x128xf32> to vector<128x128xf32>
      %add3A_747 = arith.addf %add3A_745, %add3A_746 : vector<128x128xf32>
      %add3A_748 = arith.addf %add3A_747, %slice3A_740 : vector<128x128xf32>
      %lt3A_749 = arith.cmpf olt, %add3A_748, %select_n3A_736 : vector<128x128xf32>
      %select_n3A_750 = arith.select %lt3A_749, %add3A_748, %select_n3A_736 : vector<128x128xi1>, vector<128x128xf32>
      %jit3A_751 = arith.constant 52 : i32
      %broadcast_in_dim3A_752 = vector.broadcast %jit3A_751 : i32 to vector<128x128xi32>
      %select_n3A_753 = arith.select %lt3A_749, %broadcast_in_dim3A_752, %select_n3A_739 : vector<128x128xi1>, vector<128x128xi32>
      %slice3A_754 = vector.extract_strided_slice %dot_general3A_16 {offsets = [0, 6784], sizes = [128, 128], strides = [1, 1]} : vector<128x8192xf32> to vector<128x128xf32>
      %get3A_755 = arith.constant 0 : index
      %get3A_756 = arith.constant 0 : index
      %get3A_757 = vector.load %arg4[%get3A_755, %get3A_756] : memref<1x8192xf32, #tpu.memory_space<vmem>>, vector<1x8192xf32>
      %slice3A_758 = vector.extract_strided_slice %get3A_757 {offsets = [0, 6784], sizes = [1, 128], strides = [1, 1]} : vector<1x8192xf32> to vector<1x128xf32>
      %add3A_759 = vector.broadcast %transpose3A : vector<128x1xf32> to vector<128x128xf32>
      %add3A_760 = vector.broadcast %slice3A_758 : vector<1x128xf32> to vector<128x128xf32>
      %add3A_761 = arith.addf %add3A_759, %add3A_760 : vector<128x128xf32>
      %add3A_762 = arith.addf %add3A_761, %slice3A_754 : vector<128x128xf32>
      %lt3A_763 = arith.cmpf olt, %add3A_762, %select_n3A_750 : vector<128x128xf32>
      %select_n3A_764 = arith.select %lt3A_763, %add3A_762, %select_n3A_750 : vector<128x128xi1>, vector<128x128xf32>
      %jit3A_765 = arith.constant 53 : i32
      %broadcast_in_dim3A_766 = vector.broadcast %jit3A_765 : i32 to vector<128x128xi32>
      %select_n3A_767 = arith.select %lt3A_763, %broadcast_in_dim3A_766, %select_n3A_753 : vector<128x128xi1>, vector<128x128xi32>
      %slice3A_768 = vector.extract_strided_slice %dot_general3A_16 {offsets = [0, 6912], sizes = [128, 128], strides = [1, 1]} : vector<128x8192xf32> to vector<128x128xf32>
      %get3A_769 = arith.constant 0 : index
      %get3A_770 = arith.constant 0 : index
      %get3A_771 = vector.load %arg4[%get3A_769, %get3A_770] : memref<1x8192xf32, #tpu.memory_space<vmem>>, vector<1x8192xf32>
      %slice3A_772 = vector.extract_strided_slice %get3A_771 {offsets = [0, 6912], sizes = [1, 128], strides = [1, 1]} : vector<1x8192xf32> to vector<1x128xf32>
      %add3A_773 = vector.broadcast %transpose3A : vector<128x1xf32> to vector<128x128xf32>
      %add3A_774 = vector.broadcast %slice3A_772 : vector<1x128xf32> to vector<128x128xf32>
      %add3A_775 = arith.addf %add3A_773, %add3A_774 : vector<128x128xf32>
      %add3A_776 = arith.addf %add3A_775, %slice3A_768 : vector<128x128xf32>
      %lt3A_777 = arith.cmpf olt, %add3A_776, %select_n3A_764 : vector<128x128xf32>
      %select_n3A_778 = arith.select %lt3A_777, %add3A_776, %select_n3A_764 : vector<128x128xi1>, vector<128x128xf32>
      %jit3A_779 = arith.constant 54 : i32
      %broadcast_in_dim3A_780 = vector.broadcast %jit3A_779 : i32 to vector<128x128xi32>
      %select_n3A_781 = arith.select %lt3A_777, %broadcast_in_dim3A_780, %select_n3A_767 : vector<128x128xi1>, vector<128x128xi32>
      %slice3A_782 = vector.extract_strided_slice %dot_general3A_16 {offsets = [0, 7040], sizes = [128, 128], strides = [1, 1]} : vector<128x8192xf32> to vector<128x128xf32>
      %get3A_783 = arith.constant 0 : index
      %get3A_784 = arith.constant 0 : index
      %get3A_785 = vector.load %arg4[%get3A_783, %get3A_784] : memref<1x8192xf32, #tpu.memory_space<vmem>>, vector<1x8192xf32>
      %slice3A_786 = vector.extract_strided_slice %get3A_785 {offsets = [0, 7040], sizes = [1, 128], strides = [1, 1]} : vector<1x8192xf32> to vector<1x128xf32>
      %add3A_787 = vector.broadcast %transpose3A : vector<128x1xf32> to vector<128x128xf32>
      %add3A_788 = vector.broadcast %slice3A_786 : vector<1x128xf32> to vector<128x128xf32>
      %add3A_789 = arith.addf %add3A_787, %add3A_788 : vector<128x128xf32>
      %add3A_790 = arith.addf %add3A_789, %slice3A_782 : vector<128x128xf32>
      %lt3A_791 = arith.cmpf olt, %add3A_790, %select_n3A_778 : vector<128x128xf32>
      %select_n3A_792 = arith.select %lt3A_791, %add3A_790, %select_n3A_778 : vector<128x128xi1>, vector<128x128xf32>
      %jit3A_793 = arith.constant 55 : i32
      %broadcast_in_dim3A_794 = vector.broadcast %jit3A_793 : i32 to vector<128x128xi32>
      %select_n3A_795 = arith.select %lt3A_791, %broadcast_in_dim3A_794, %select_n3A_781 : vector<128x128xi1>, vector<128x128xi32>
      %slice3A_796 = vector.extract_strided_slice %dot_general3A_16 {offsets = [0, 7168], sizes = [128, 128], strides = [1, 1]} : vector<128x8192xf32> to vector<128x128xf32>
      %get3A_797 = arith.constant 0 : index
      %get3A_798 = arith.constant 0 : index
      %get3A_799 = vector.load %arg4[%get3A_797, %get3A_798] : memref<1x8192xf32, #tpu.memory_space<vmem>>, vector<1x8192xf32>
      %slice3A_800 = vector.extract_strided_slice %get3A_799 {offsets = [0, 7168], sizes = [1, 128], strides = [1, 1]} : vector<1x8192xf32> to vector<1x128xf32>
      %add3A_801 = vector.broadcast %transpose3A : vector<128x1xf32> to vector<128x128xf32>
      %add3A_802 = vector.broadcast %slice3A_800 : vector<1x128xf32> to vector<128x128xf32>
      %add3A_803 = arith.addf %add3A_801, %add3A_802 : vector<128x128xf32>
      %add3A_804 = arith.addf %add3A_803, %slice3A_796 : vector<128x128xf32>
      %lt3A_805 = arith.cmpf olt, %add3A_804, %select_n3A_792 : vector<128x128xf32>
      %select_n3A_806 = arith.select %lt3A_805, %add3A_804, %select_n3A_792 : vector<128x128xi1>, vector<128x128xf32>
      %jit3A_807 = arith.constant 56 : i32
      %broadcast_in_dim3A_808 = vector.broadcast %jit3A_807 : i32 to vector<128x128xi32>
      %select_n3A_809 = arith.select %lt3A_805, %broadcast_in_dim3A_808, %select_n3A_795 : vector<128x128xi1>, vector<128x128xi32>
      %slice3A_810 = vector.extract_strided_slice %dot_general3A_16 {offsets = [0, 7296], sizes = [128, 128], strides = [1, 1]} : vector<128x8192xf32> to vector<128x128xf32>
      %get3A_811 = arith.constant 0 : index
      %get3A_812 = arith.constant 0 : index
      %get3A_813 = vector.load %arg4[%get3A_811, %get3A_812] : memref<1x8192xf32, #tpu.memory_space<vmem>>, vector<1x8192xf32>
      %slice3A_814 = vector.extract_strided_slice %get3A_813 {offsets = [0, 7296], sizes = [1, 128], strides = [1, 1]} : vector<1x8192xf32> to vector<1x128xf32>
      %add3A_815 = vector.broadcast %transpose3A : vector<128x1xf32> to vector<128x128xf32>
      %add3A_816 = vector.broadcast %slice3A_814 : vector<1x128xf32> to vector<128x128xf32>
      %add3A_817 = arith.addf %add3A_815, %add3A_816 : vector<128x128xf32>
      %add3A_818 = arith.addf %add3A_817, %slice3A_810 : vector<128x128xf32>
      %lt3A_819 = arith.cmpf olt, %add3A_818, %select_n3A_806 : vector<128x128xf32>
      %select_n3A_820 = arith.select %lt3A_819, %add3A_818, %select_n3A_806 : vector<128x128xi1>, vector<128x128xf32>
      %jit3A_821 = arith.constant 57 : i32
      %broadcast_in_dim3A_822 = vector.broadcast %jit3A_821 : i32 to vector<128x128xi32>
      %select_n3A_823 = arith.select %lt3A_819, %broadcast_in_dim3A_822, %select_n3A_809 : vector<128x128xi1>, vector<128x128xi32>
      %slice3A_824 = vector.extract_strided_slice %dot_general3A_16 {offsets = [0, 7424], sizes = [128, 128], strides = [1, 1]} : vector<128x8192xf32> to vector<128x128xf32>
      %get3A_825 = arith.constant 0 : index
      %get3A_826 = arith.constant 0 : index
      %get3A_827 = vector.load %arg4[%get3A_825, %get3A_826] : memref<1x8192xf32, #tpu.memory_space<vmem>>, vector<1x8192xf32>
      %slice3A_828 = vector.extract_strided_slice %get3A_827 {offsets = [0, 7424], sizes = [1, 128], strides = [1, 1]} : vector<1x8192xf32> to vector<1x128xf32>
      %add3A_829 = vector.broadcast %transpose3A : vector<128x1xf32> to vector<128x128xf32>
      %add3A_830 = vector.broadcast %slice3A_828 : vector<1x128xf32> to vector<128x128xf32>
      %add3A_831 = arith.addf %add3A_829, %add3A_830 : vector<128x128xf32>
      %add3A_832 = arith.addf %add3A_831, %slice3A_824 : vector<128x128xf32>
      %lt3A_833 = arith.cmpf olt, %add3A_832, %select_n3A_820 : vector<128x128xf32>
      %select_n3A_834 = arith.select %lt3A_833, %add3A_832, %select_n3A_820 : vector<128x128xi1>, vector<128x128xf32>
      %jit3A_835 = arith.constant 58 : i32
      %broadcast_in_dim3A_836 = vector.broadcast %jit3A_835 : i32 to vector<128x128xi32>
      %select_n3A_837 = arith.select %lt3A_833, %broadcast_in_dim3A_836, %select_n3A_823 : vector<128x128xi1>, vector<128x128xi32>
      %slice3A_838 = vector.extract_strided_slice %dot_general3A_16 {offsets = [0, 7552], sizes = [128, 128], strides = [1, 1]} : vector<128x8192xf32> to vector<128x128xf32>
      %get3A_839 = arith.constant 0 : index
      %get3A_840 = arith.constant 0 : index
      %get3A_841 = vector.load %arg4[%get3A_839, %get3A_840] : memref<1x8192xf32, #tpu.memory_space<vmem>>, vector<1x8192xf32>
      %slice3A_842 = vector.extract_strided_slice %get3A_841 {offsets = [0, 7552], sizes = [1, 128], strides = [1, 1]} : vector<1x8192xf32> to vector<1x128xf32>
      %add3A_843 = vector.broadcast %transpose3A : vector<128x1xf32> to vector<128x128xf32>
      %add3A_844 = vector.broadcast %slice3A_842 : vector<1x128xf32> to vector<128x128xf32>
      %add3A_845 = arith.addf %add3A_843, %add3A_844 : vector<128x128xf32>
      %add3A_846 = arith.addf %add3A_845, %slice3A_838 : vector<128x128xf32>
      %lt3A_847 = arith.cmpf olt, %add3A_846, %select_n3A_834 : vector<128x128xf32>
      %select_n3A_848 = arith.select %lt3A_847, %add3A_846, %select_n3A_834 : vector<128x128xi1>, vector<128x128xf32>
      %jit3A_849 = arith.constant 59 : i32
      %broadcast_in_dim3A_850 = vector.broadcast %jit3A_849 : i32 to vector<128x128xi32>
      %select_n3A_851 = arith.select %lt3A_847, %broadcast_in_dim3A_850, %select_n3A_837 : vector<128x128xi1>, vector<128x128xi32>
      %slice3A_852 = vector.extract_strided_slice %dot_general3A_16 {offsets = [0, 7680], sizes = [128, 128], strides = [1, 1]} : vector<128x8192xf32> to vector<128x128xf32>
      %get3A_853 = arith.constant 0 : index
      %get3A_854 = arith.constant 0 : index
      %get3A_855 = vector.load %arg4[%get3A_853, %get3A_854] : memref<1x8192xf32, #tpu.memory_space<vmem>>, vector<1x8192xf32>
      %slice3A_856 = vector.extract_strided_slice %get3A_855 {offsets = [0, 7680], sizes = [1, 128], strides = [1, 1]} : vector<1x8192xf32> to vector<1x128xf32>
      %add3A_857 = vector.broadcast %transpose3A : vector<128x1xf32> to vector<128x128xf32>
      %add3A_858 = vector.broadcast %slice3A_856 : vector<1x128xf32> to vector<128x128xf32>
      %add3A_859 = arith.addf %add3A_857, %add3A_858 : vector<128x128xf32>
      %add3A_860 = arith.addf %add3A_859, %slice3A_852 : vector<128x128xf32>
      %lt3A_861 = arith.cmpf olt, %add3A_860, %select_n3A_848 : vector<128x128xf32>
      %select_n3A_862 = arith.select %lt3A_861, %add3A_860, %select_n3A_848 : vector<128x128xi1>, vector<128x128xf32>
      %jit3A_863 = arith.constant 60 : i32
      %broadcast_in_dim3A_864 = vector.broadcast %jit3A_863 : i32 to vector<128x128xi32>
      %select_n3A_865 = arith.select %lt3A_861, %broadcast_in_dim3A_864, %select_n3A_851 : vector<128x128xi1>, vector<128x128xi32>
      %slice3A_866 = vector.extract_strided_slice %dot_general3A_16 {offsets = [0, 7808], sizes = [128, 128], strides = [1, 1]} : vector<128x8192xf32> to vector<128x128xf32>
      %get3A_867 = arith.constant 0 : index
      %get3A_868 = arith.constant 0 : index
      %get3A_869 = vector.load %arg4[%get3A_867, %get3A_868] : memref<1x8192xf32, #tpu.memory_space<vmem>>, vector<1x8192xf32>
      %slice3A_870 = vector.extract_strided_slice %get3A_869 {offsets = [0, 7808], sizes = [1, 128], strides = [1, 1]} : vector<1x8192xf32> to vector<1x128xf32>
      %add3A_871 = vector.broadcast %transpose3A : vector<128x1xf32> to vector<128x128xf32>
      %add3A_872 = vector.broadcast %slice3A_870 : vector<1x128xf32> to vector<128x128xf32>
      %add3A_873 = arith.addf %add3A_871, %add3A_872 : vector<128x128xf32>
      %add3A_874 = arith.addf %add3A_873, %slice3A_866 : vector<128x128xf32>
      %lt3A_875 = arith.cmpf olt, %add3A_874, %select_n3A_862 : vector<128x128xf32>
      %select_n3A_876 = arith.select %lt3A_875, %add3A_874, %select_n3A_862 : vector<128x128xi1>, vector<128x128xf32>
      %jit3A_877 = arith.constant 61 : i32
      %broadcast_in_dim3A_878 = vector.broadcast %jit3A_877 : i32 to vector<128x128xi32>
      %select_n3A_879 = arith.select %lt3A_875, %broadcast_in_dim3A_878, %select_n3A_865 : vector<128x128xi1>, vector<128x128xi32>
      %slice3A_880 = vector.extract_strided_slice %dot_general3A_16 {offsets = [0, 7936], sizes = [128, 128], strides = [1, 1]} : vector<128x8192xf32> to vector<128x128xf32>
      %get3A_881 = arith.constant 0 : index
      %get3A_882 = arith.constant 0 : index
      %get3A_883 = vector.load %arg4[%get3A_881, %get3A_882] : memref<1x8192xf32, #tpu.memory_space<vmem>>, vector<1x8192xf32>
      %slice3A_884 = vector.extract_strided_slice %get3A_883 {offsets = [0, 7936], sizes = [1, 128], strides = [1, 1]} : vector<1x8192xf32> to vector<1x128xf32>
      %add3A_885 = vector.broadcast %transpose3A : vector<128x1xf32> to vector<128x128xf32>
      %add3A_886 = vector.broadcast %slice3A_884 : vector<1x128xf32> to vector<128x128xf32>
      %add3A_887 = arith.addf %add3A_885, %add3A_886 : vector<128x128xf32>
      %add3A_888 = arith.addf %add3A_887, %slice3A_880 : vector<128x128xf32>
      %lt3A_889 = arith.cmpf olt, %add3A_888, %select_n3A_876 : vector<128x128xf32>
      %select_n3A_890 = arith.select %lt3A_889, %add3A_888, %select_n3A_876 : vector<128x128xi1>, vector<128x128xf32>
      %jit3A_891 = arith.constant 62 : i32
      %broadcast_in_dim3A_892 = vector.broadcast %jit3A_891 : i32 to vector<128x128xi32>
      %select_n3A_893 = arith.select %lt3A_889, %broadcast_in_dim3A_892, %select_n3A_879 : vector<128x128xi1>, vector<128x128xi32>
      %slice3A_894 = vector.extract_strided_slice %dot_general3A_16 {offsets = [0, 8064], sizes = [128, 128], strides = [1, 1]} : vector<128x8192xf32> to vector<128x128xf32>
      %get3A_895 = arith.constant 0 : index
      %get3A_896 = arith.constant 0 : index
      %get3A_897 = vector.load %arg4[%get3A_895, %get3A_896] : memref<1x8192xf32, #tpu.memory_space<vmem>>, vector<1x8192xf32>
      %slice3A_898 = vector.extract_strided_slice %get3A_897 {offsets = [0, 8064], sizes = [1, 128], strides = [1, 1]} : vector<1x8192xf32> to vector<1x128xf32>
      %add3A_899 = vector.broadcast %transpose3A : vector<128x1xf32> to vector<128x128xf32>
      %add3A_900 = vector.broadcast %slice3A_898 : vector<1x128xf32> to vector<128x128xf32>
      %add3A_901 = arith.addf %add3A_899, %add3A_900 : vector<128x128xf32>
      %add3A_902 = arith.addf %add3A_901, %slice3A_894 : vector<128x128xf32>
      %lt3A_903 = arith.cmpf olt, %add3A_902, %select_n3A_890 : vector<128x128xf32>
      %select_n3A_904 = arith.select %lt3A_903, %add3A_902, %select_n3A_890 : vector<128x128xi1>, vector<128x128xf32>
      %jit3A_905 = arith.constant 63 : i32
      %broadcast_in_dim3A_906 = vector.broadcast %jit3A_905 : i32 to vector<128x128xi32>
      %select_n3A_907 = arith.select %lt3A_903, %broadcast_in_dim3A_906, %select_n3A_893 : vector<128x128xi1>, vector<128x128xi32>
      %swap3A = arith.constant 0 : index
      %swap3A_908 = arith.constant 0 : index
      %swap3A_909 = vector.load %arg8[%swap3A, %swap3A_908] : memref<128x128xf32, #tpu.memory_space<vmem>>, vector<128x128xf32>
      tpu.vector_store %arg8[%swap3A, %swap3A_908], %select_n3A_904 {strides = array<i32>} : memref<128x128xf32, #tpu.memory_space<vmem>>, vector<128x128xf32>,
      %swap3A_910 = arith.constant 0 : index
      %swap3A_911 = arith.constant 0 : index
      %swap3A_912 = vector.load %arg9[%swap3A_910, %swap3A_911] : memref<128x128xi32, #tpu.memory_space<vmem>>, vector<128x128xi32>
      tpu.vector_store %arg9[%swap3A_910, %swap3A_911], %select_n3A_907 {strides = array<i32>} : memref<128x128xi32, #tpu.memory_space<vmem>>, vector<128x128xi32>,
    } else {
    }
    return
  }
  func.func @transform_0(%arg0: i32) -> (i32, i32) {
    %c0_i32 = arith.constant 0 : i32
    %c0_i32_0 = arith.constant 0 : i32
    %c0_i32_1 = arith.constant 0 : i32
    return %c0_i32, %c0_i32_0 : i32, i32
  }
  func.func @transform_1(%arg0: i32) -> (i32, i32) {
    %c0_i32 = arith.constant 0 : i32
    %c0_i32_0 = arith.constant 0 : i32
    %c0_i32_1 = arith.constant 0 : i32
    return %c0_i32, %c0_i32_0 : i32, i32
  }
  func.func @transform_2(%arg0: i32) -> (i32, i32) {
    %c0_i32 = arith.constant 0 : i32
    %c0_i32_0 = arith.constant 0 : i32
    %c0_i32_1 = arith.constant 0 : i32
    return %c0_i32, %c0_i32_0 : i32, i32
  }
  func.func @transform_3(%arg0: i32) -> (i32, i32) {
    %c0_i32 = arith.constant 0 : i32
    %c0_i32_0 = arith.constant 0 : i32
    %c0_i32_1 = arith.constant 0 : i32
    return %c0_i32, %c0_i32_0 : i32, i32
  }
  func.func @transform_4(%arg0: i32) -> (i32, i32, i32) {
    %sub3A = arith.constant 1 : i32
    %sub3A_0 = arith.subi %arg0, %sub3A : i32
    %max3A = arith.constant 0 : i32
    %max3A_1 = arith.maxsi %sub3A_0, %max3A : i32
    %c0_i32 = arith.constant 0 : i32
    %c0_i32_2 = arith.constant 0 : i32
    %c0_i32_3 = arith.constant 0 : i32
    return %max3A_1, %c0_i32, %c0_i32_2 : i32, i32, i32
  }
  func.func @transform_5(%arg0: i32) -> (i32, i32, i32) {
    %sub3A = arith.constant 1 : i32
    %sub3A_0 = arith.subi %arg0, %sub3A : i32
    %max3A = arith.constant 0 : i32
    %max3A_1 = arith.maxsi %sub3A_0, %max3A : i32
    %c0_i32 = arith.constant 0 : i32
    %c0_i32_2 = arith.constant 0 : i32
    %c0_i32_3 = arith.constant 0 : i32
    return %max3A_1, %c0_i32, %c0_i32_2 : i32, i32, i32
  }
}

module attributes {stable_mosaic.version = 14 : i64} {
  func.func @_st_transpose_body(%arg0: i32, %arg1: memref<1024x256xf32, #tpu.memory_space<vmem>>, %arg2: memref<1024x256xf32, #tpu.memory_space<vmem>>, %arg3: memref<1x256x1024xf32, #tpu.memory_space<vmem>>) attributes {dimension_semantics = [#tpu.dimension_semantics<arbitrary>], iteration_bounds = array<i64: 8>, scalar_prefetch = 0 : i64, scratch_operands = 0 : i64, tpu.core_type = #tpu.core_type<tc>, window_params = [{transform_indices = @transform_0, window_bounds = array<i64: 1024, 256>}, {transform_indices = @transform_1, window_bounds = array<i64: 1024, 256>}, {transform_indices = @transform_2, window_bounds = array<i64: 1, 256, 1024>}]} {
    %get3A = arith.constant 0 : index
    %get3A_0 = arith.constant 0 : index
    %get3A_1 = vector.load %arg1[%get3A, %get3A_0] : memref<1024x256xf32, #tpu.memory_space<vmem>>, vector<1024x256xf32>
    %get3A_2 = arith.constant 0 : index
    %get3A_3 = arith.constant 0 : index
    %get3A_4 = vector.load %arg2[%get3A_2, %get3A_3] : memref<1024x256xf32, #tpu.memory_space<vmem>>, vector<1024x256xf32>
    %sub3A = arith.subf %get3A_4, %get3A_1 : vector<1024x256xf32>
    %add3A = arith.addf %get3A_1, %sub3A : vector<1024x256xf32>
    %transpose3A = tpu.transpose %add3A, [1, 0] : vector<1024x256xf32> -> vector<256x1024xf32>
    %swap3A = arith.constant 0 : index
    %swap3A_5 = arith.constant 0 : index
    %swap3A_6 = arith.constant 0 : index
    %swap3A_7 = vector.load %arg3[%swap3A, %swap3A_5, %swap3A_6] : memref<1x256x1024xf32, #tpu.memory_space<vmem>>, vector<1x256x1024xf32>
    %swap3A_8 = vector.shape_cast %swap3A_7 : vector<1x256x1024xf32> to vector<256x1024xf32>
    %swap3A_9 = vector.shape_cast %transpose3A : vector<256x1024xf32> to vector<1x256x1024xf32>
    tpu.vector_store %arg3[%swap3A, %swap3A_5, %swap3A_6], %swap3A_9 {strides = array<i32>} : memref<1x256x1024xf32, #tpu.memory_space<vmem>>, vector<1x256x1024xf32>,
    return
  }
  func.func @transform_0(%arg0: i32) -> (i32, i32) {
    %c0_i32 = arith.constant 0 : i32
    %c0_i32_0 = arith.constant 0 : i32
    return %arg0, %c0_i32 : i32, i32
  }
  func.func @transform_1(%arg0: i32) -> (i32, i32) {
    %c0_i32 = arith.constant 0 : i32
    %c0_i32_0 = arith.constant 0 : i32
    return %arg0, %c0_i32 : i32, i32
  }
  func.func @transform_2(%arg0: i32) -> (i32, i32, i32) {
    %jit3A = arith.constant 1 : i32
    %div3A = arith.divsi %arg0, %jit3A : i32
    %sign3A = arith.constant 0 : i32
    %sign3A_0 = arith.cmpi sgt, %arg0, %sign3A : i32
    %sign3A_1 = arith.extui %sign3A_0 : i1 to i32
    %sign3A_2 = arith.constant 0 : i32
    %sign3A_3 = arith.cmpi slt, %arg0, %sign3A_2 : i32
    %sign3A_4 = arith.extui %sign3A_3 : i1 to i32
    %sign3A_5 = arith.subi %sign3A_1, %sign3A_4 : i32
    %sign3A_6 = arith.constant 0 : i32
    %sign3A_7 = arith.cmpi sgt, %jit3A, %sign3A_6 : i32
    %sign3A_8 = arith.extui %sign3A_7 : i1 to i32
    %sign3A_9 = arith.constant 0 : i32
    %sign3A_10 = arith.cmpi slt, %jit3A, %sign3A_9 : i32
    %sign3A_11 = arith.extui %sign3A_10 : i1 to i32
    %sign3A_12 = arith.subi %sign3A_8, %sign3A_11 : i32
    %ne3A = arith.cmpi ne, %sign3A_5, %sign3A_12 : i32
    %rem3A = arith.remsi %arg0, %jit3A : i32
    %ne3A_13 = arith.constant 0 : i32
    %ne3A_14 = arith.cmpi ne, %rem3A, %ne3A_13 : i32
    %and3A = arith.andi %ne3A, %ne3A_14 : i1
    %sub3A = arith.constant 1 : i32
    %sub3A_15 = arith.subi %div3A, %sub3A : i32
    %select_n3A = arith.select %and3A, %sub3A_15, %div3A : i32
    %jit3A_16 = arith.constant 1 : i32
    %eq3A = arith.constant 0 : i32
    %eq3A_17 = arith.cmpi eq, %jit3A_16, %eq3A : i32
    %jit3A_18 = arith.constant 1 : i32
    %select_n3A_19 = arith.select %eq3A_17, %jit3A_18, %jit3A_16 : i32
    %rem3A_20 = arith.remsi %arg0, %select_n3A_19 : i32
    %ne3A_21 = arith.constant 0 : i32
    %ne3A_22 = arith.cmpi ne, %rem3A_20, %ne3A_21 : i32
    %lt3A = arith.constant 0 : i32
    %lt3A_23 = arith.cmpi slt, %rem3A_20, %lt3A : i32
    %lt3A_24 = arith.constant 0 : i32
    %lt3A_25 = arith.cmpi slt, %select_n3A_19, %lt3A_24 : i32
    %ne3A_26 = arith.xori %lt3A_23, %lt3A_25 : i1
    %and3A_27 = arith.andi %ne3A_26, %ne3A_22 : i1
    %add3A = arith.addi %rem3A_20, %select_n3A_19 : i32
    %select_n3A_28 = arith.select %and3A_27, %add3A, %rem3A_20 : i32
    %c0_i32 = arith.constant 0 : i32
    %c0_i32_29 = arith.constant 0 : i32
    return %select_n3A, %c0_i32, %select_n3A_28 : i32, i32, i32
  }
}

</mosaic_0001>

<sc_bundles>
// kernel: kernel.5.cloned.1.call-start
scs
__scs_entry_jumppad:
0x0: {  	(pc) =	sbr.rel $0x88, $3  }
0x1: {  	(tag) =	ssettag $0x0;
	lr =	simm.s32 $0x1  }
0x2: {  	[smem:$0x3F9F] =	sst lr;
	_ =	strace $0xD0000000  }
0x3: {  	_ = 	snop  }
0x4: {  	_ = 	snop  }
0x5: {  	_ = 	snop  }
0x6: {  	_ = 	snop  }
0x7: {  	_ = 	snop  }
__scs_overlays_trampoline_lowered:
0x8: {  	[smem:$0x3FAE] =	sst s0  }
0x9: {  	[smem:$0x3FAF] =	sst s1  }
0xa: {  	[smem:$0x3FB0] =	sst s2  }
0xb: {  	[smem:$0x3FB1] =	sst s3  }
0xc: {  	[smem:$0x3FB2] =	sst s4  }
0xd: {  	[smem:$0x3FB3] =	sst s5  }
0xe: {  	[smem:$0x3FB4] =	sst s6  }
0xf: {  	[smem:$0x3FB5] =	sst s7  }
0x10: {  	[smem:$0x3FB6] =	sst s8  }
0x11: {  	[smem:$0x3FB7] =	sst s9;
	s0 =	simm.s32 @!p0 $0x0  }
0x12: {  	s1 =	sld [smem:$0x3F9D];
	s0 =	simm.s32 @p0 $0x1  }
0x13: {  	[smem:$0x3FB8] =	sst s0;
	s0 =	simm.s32 @!p1 $0x0  }
0x14: {  	s2 =	sld [smem:$0x3F9C];
	s0 =	simm.s32 @p1 $0x1  }
0x15: {  	[smem:$0x3FB9] =	sst s0;
	s0 =	simm.s32 @!p2 $0x0  }
0x16: {  	s3 =	sld [smem:$0x3FDB];
	s0 =	simm.s32 @p2 $0x1  }
0x17: {  	s4 =	simm.s32 $0x1BF5;
	[smem:$0x3FBB] =	sst s0  }
0x18: {  	s0 =	sld [smem:$0x3F9E];
	_ =	swait.ge [sflag:s4], $0x0  }
0x19: {  	s7 =	sld [smem:$0x3F9F]  }
0x1a: {  	s8 =	sadd.s32 $0xFFFFE003, lr  }
0x1b: {  	s9 =	sadd.s32 $0xFFFFFEF7, lr;
	s5 =	simm.s32 $0xFFFFFFFF;
	p2 =	slt.u32 s8, $0xFFFFF086  }
0x1c: {  	p1 =	slt.u32 s9, $0xF7A;
	s5 =	simm.s32 @!p2 $0x0  }
0x1d: {  	s5 =	simm.s32 @p1 $0x1;
	p0 =	seq.s32 s7, s2  }
0x1e: {  	s7 =	smul.u32 @!p0 $0xF7A, s2;
	p2 =	seq.s32 @!p0 s5, $0x0  }
0x1f: {  	s9 =	smul.u32 $0xF7A, s1;
	s8 =	simm.s32 @!p0 $0x1BF5;
	p2 =	por !p2, p0  }
0x20: {  	[sflag:s8] =	ssyncset.s32 @!p0 $0xFFFFF086;
	s6 =	sadd.s32 @!p0 s3, s7;
	s7 =	simm.s32 @!p0 $0x108  }
0x21: {  	s3 =	sadd.s32 s3, s9;
	s6 =	sadd.s32 @!p0 $0x88, s6;
	s7 =	simm.s32 @p2 $0x1082  }
0x22: {  	[simem:s7], [sflag:s8] =	dma.local @!p0 [hbm:s6], $0xF7A  }
0x23: {  	s9 =	sor.u32 $0xD0000000, s2;
	s6 =	simm.s32 $0x108;
	_ =	swait.ge @!p0 [sflag:s8], $0x0  }
0x24: {  	s3 =	sadd.s32 $0x88, s3;
	s6 =	simm.s32 @!p1 $0x1082;
	[sflag:s4] =	ssyncset.s32 $0xFFFFF086  }
0x25: {  	[simem:s6], [sflag:s4] =	dma.local [hbm:s3], $0xF7A  }
0x26: {  	[smem:$0x3F9F] =	sst s1;
	(tag) =	ssettag s2;
	_ =	strace s9  }
0x27: {  	s1 =	sld [smem:$0x3FAF]  }
0x28: {  	s2 =	sld [smem:$0x3FB0]  }
0x29: {  	s4 =	sld [smem:$0x3FB2]  }
0x2a: {  	p0 =	seq.s32 s5, $0x0;
	s5 =	sld [smem:$0x3FB3]  }
0x2b: {  	s6 =	sld [smem:$0x3FB4]  }
0x2c: {  	s7 =	sld [smem:$0x3FB5]  }
0x2d: {  	s3 =	simm.s32 $0x108;
	s8 =	sld [smem:$0x3FB6]  }
0x2e: {  	s3 =	simm.s32 @!p0 $0x1082;
	s9 =	sld [smem:$0x3FB7]  }
0x2f: {  	lr =	sadd.s32 s0, s3;
	s0 =	sld [smem:$0x3FAE]  }
0x30: {  	s3 =	sld [smem:$0x3FB1]  }
0x31: {  	[smem:$0x3FBA] =	sst s10  }
0x32: {  	s10 =	sld [smem:$0x3FB8];
	_ =	sdelay $0x3  }
0x33: {  	p0 =	seq.s32 s10, $0x1;
	s10 =	sld [smem:$0x3FBA];
	_ =	sdelay $0x3  }
0x34: {  	[smem:$0x3FBA] =	sst s10  }
0x35: {  	s10 =	sld [smem:$0x3FB9];
	_ =	sdelay $0x3  }
0x36: {  	p1 =	seq.s32 s10, $0x1;
	s10 =	sld [smem:$0x3FBA];
	_ =	sdelay $0x3  }
0x37: {  	[smem:$0x3FBA] =	sst s10  }
0x38: {  	s10 =	sld [smem:$0x3FBB]  }
0x39: {  	_ = 	snop;
	(pc) =	sbr.ind lr, $3  }
0x3a: {  	_ = 	snop  }
0x3b: {  	_ = 	snop  }
0x3c: {  	p2 =	seq.s32 s10, $0x1;
	s10 =	sld [smem:$0x3FBA]  }
0x3d: {  	_ =	shalt  }
0x3e: {  	_ =	shalt  }
0x3f: {  	_ =	shalt  }
0x40: {  	_ =	shalt  }
0x41: {  	_ =	shalt  }
0x42: {  	_ =	shalt  }
0x43: {  	_ =	shalt  }
0x44: {  	_ =	shalt  }
0x45: {  	_ =	shalt  }
0x46: {  	_ =	shalt  }
0x47: {  	_ =	shalt  }
0x48: {  	_ =	shalt  }
0x49: {  	_ =	shalt  }
0x4a: {  	_ =	shalt  }
0x4b: {  	_ =	shalt  }
0x4c: {  	_ =	shalt  }
0x4d: {  	_ =	shalt  }
0x4e: {  	_ =	shalt  }
0x4f: {  	_ =	shalt  }
0x50: {  	_ =	shalt  }
0x51: {  	_ =	shalt  }
0x52: {  	_ =	shalt  }
0x53: {  	_ =	shalt  }
0x54: {  	_ =	shalt  }
0x55: {  	_ =	shalt  }
0x56: {  	_ =	shalt  }
0x57: {  	_ =	shalt  }
0x58: {  	_ =	shalt  }
0x59: {  	_ =	shalt  }
0x5a: {  	_ =	shalt  }
0x5b: {  	_ =	shalt  }
0x5c: {  	_ =	shalt  }
0x5d: {  	_ =	shalt  }
0x5e: {  	_ =	shalt  }
0x5f: {  	_ =	shalt  }
0x60: {  	_ =	shalt  }
0x61: {  	_ =	shalt  }
0x62: {  	_ =	shalt  }
0x63: {  	_ =	shalt  }
0x64: {  	_ =	shalt  }
0x65: {  	_ =	shalt  }
0x66: {  	_ =	shalt  }
0x67: {  	_ =	shalt  }
0x68: {  	_ =	shalt  }
0x69: {  	_ =	shalt  }
0x6a: {  	_ =	shalt  }
0x6b: {  	_ =	shalt  }
0x6c: {  	_ =	shalt  }
0x6d: {  	_ =	shalt  }
0x6e: {  	_ =	shalt  }
0x6f: {  	_ =	shalt  }
0x70: {  	_ =	shalt  }
0x71: {  	_ =	shalt  }
0x72: {  	_ =	shalt  }
0x73: {  	_ =	shalt  }
0x74: {  	_ =	shalt  }
0x75: {  	_ =	shalt  }
0x76: {  	_ =	shalt  }
0x77: {  	_ =	shalt  }
0x78: {  	_ =	shalt  }
0x79: {  	_ =	shalt  }
0x7a: {  	_ =	shalt  }
0x7b: {  	_ =	shalt  }
0x7c: {  	_ =	shalt  }
0x7d: {  	_ =	shalt  }
0x7e: {  	_ =	shalt  }
0x7f: {  	_ =	shalt  }
0x80: {  	_ =	shalt  }
0x81: {  	_ =	shalt  }
0x82: {  	_ =	shalt  }
0x83: {  	_ =	shalt  }
0x84: {  	_ =	shalt  }
0x85: {  	_ =	shalt  }
0x86: {  	_ =	shalt  }
0x87: {  	_ =	shalt  }
.Lfunc_end0:
.L_simem_size_0:
called_computation_lowered:
.L_overlay_start_0:
0x88: {  	s2 =	sld [smem:$0x3FD9]  }
0x89: {  	s3 =	sld [smem:$0x3FFE];
	_ =	sdelay $0x1  }
0x8a: {  	s1 =	srdreg.scid  }
0x8b: {  	s0 =	sand.u32 $0x1, s1  }
0x8c: {  	s14 =	sshll.u32 s0, $0xA;
	s2 =	sadd.s32 s3, s2  }
0x8d: {  	s2 =	sadd.s32 s2, s14  }
0x8e: {  	[smem:$0x3FC6] =	sst s2  }
0x8f: {  	_ = 	snop  }
0x90: {  	s2 =	sld [smem:$0x3FD0];
	_ =	sdelay $0x2  }
0x91: {  	s4 =	simm.s32 $0xA;
	s5 =	simm.s32 $0x10;
	s15 =	sld [smem:$0x3FC8]  }
0x92: {  	[smem:s5], [sflag:s4] =	dma.local [hbm:s2], $0x1  }
0x93: {  	_ =	swait.eq [sflag:s4], $0x1  }
0x94: {  	[sflag:s4] =	ssyncset.done $0x0  }
0x95: {  	[sflag:s4] =	ssyncadd.s32 $0xFFFFFFFF  }
0x96: {  	s16 =	sld [smem:$0x10];
	(tm) =	ssettm $0x1  }
0x97: {  	s17 =	sld [smem:$0x3FFB];
	_ =	sdelay $0x3  }
0x98: {  	_ =	strace s17  }
0x99: {  	s4 =	sld [smem:$0x3FFC];
	_ =	sdelay $0x3  }
0x9a: {  	_ =	strace s4  }
0x9b: {  	s4 =	sld [smem:$0x3FFD];
	_ =	sdelay $0x3  }
0x9c: {  	_ =	strace s4  }
0x9d: {  	_ =	strace $0x8FFFFFFF  }
0x9e: {  	s18 =	sld [smem:$0x3FDB];
	_ =	sdelay $0x1  }
0x9f: {  	s19 =	simm.s32 $_scs_section_size  }
0xa0: {  	s6 =	simm.s32 $_size__tile_overlayer_lowered;
	s7 =	simm.s32 $_tile_overlayer_lowered  }
0xa1: {  	s22 =	simm.s32 $0x1BFF;
	s21 =	sshll.u32 s7, $0x1;
	s4 =	sadd.s32 s19, s18  }
0xa2: {  	s8 =	simm.s32 $0x0;
	s20 =	sshll.u32 s6, $0x1;
	s6 =	sadd.s32 s21, s4  }
0xa3: {  	[timem:s8], [sflag:s22] =	dma.local [hbm:s6], s20  }
0xa4: {  	_ =	swait.ge [sflag:s22], s20  }
0xa5: {  	s5 =	ssub.s32 $0x0, s20;
	[sflag:s22] =	ssyncset.done $0x0  }
0xa6: {  	[sflag:s22] =	ssyncadd.s32 s5;
	_ =	sdelay $0x1  }
0xa7: {  	s23 =	simm.s32 $0x1B8B  }
0xa8: {  	_ =	swait.ge [sflag:s23], $0x1  }
0xa9: {  	[sflag:s23] =	ssyncset.done $0x0  }
0xaa: {  	s25 =	simm.s32 $0x1B8E;
	s24 =	sld [smem:$0x3FFE];
	[sflag:s23] =	ssyncadd.s32 $0xFFFFFFFF  }
0xab: {  	s26 =	simm.s32 $execute0_lowered;
	[smem:$0x3FD2] =	sst s25  }
0xac: {  	s6 =	sshll.u32 s26, $0x1;
	_ =	strace $0x80000046;
	[dreg:$0x1] =	wrdreg $0xFFFFFFFF  }
0xad: {  	s28 =	simm.s32 $_size_execute0_lowered;
	s4 =	sadd.s32 s4, s6;
	[dreg:$0x0] =	wrdreg $0x0  }
0xae: {  	s6 =	sshll.u32 s28, $0x1;
	[dreg:$0x2] =	wrdreg s4  }
0xaf: {  	[dreg:$0x3] =	wrdreg s6  }
0xb0: {  	[dreg:$0x4] =	wrdreg $0xC0  }
0xb1: {  	_ =	task [dreg:s8], $0x5FFFF  }
0xb2: {  	[dreg:$0x1] =	wrdreg $0xFFFFFFFF  }
0xb3: {  	[dreg:$0x0] =	wrdreg $0x60  }
0xb4: {  	[dreg:$0x2] =	wrdreg s15  }
0xb5: {  	[dreg:$0x3] =	wrdreg s24  }
0xb6: {  	[dreg:$0x4] =	wrdreg s16  }
0xb7: {  	[dreg:$0x5] =	wrdreg $0x9  }
0xb8: {  	_ =	task.clear_ibuf [dreg:s8], $0x6FFFF;
	_ =	strace $0x90000046  }
0xb9: {  	s29 =	simm.s32 $0x9;
	_ =	strace $0x8000004F  }
0xba: {  	_ =	swait.ge [sflag:s29], $0x1  }
0xbb: {  	[sflag:s29] =	ssyncadd.s32 $0xFFFFFFFF  }
0xbc: {  	_ =	strace $0x9000004F  }
0xbd: {  	_ =	sfence  }
0xbe: {  	s30 =	sld [smem:$0x0];
	_ =	sdelay $0x2  }
0xbf: {  	s31 =	sshll.u32 s1, $0xD;
	s1 =	sshrl.u32 s1, $0x2  }
0xc0: {  	s3 =	sand.u32 $0x4000, s31;
	s1 =	sadd.s32 s1, s30  }
0xc1: {  	s0 =	sor.u32 s3, s0;
	s1 =	sshll.u32 s1, $0x11  }
0xc2: {  	s0 =	sor.u32 s1, s0  }
0xc3: {  	s0 =	sadd.s32 $0x8F2B, s0  }
0xc4: {  	[sflag:s0] =	ssyncadd.remote.s32 $0x1  }
0xc5: {  	_ =	sfence.sel $0xFFFF  }
0xc6: {  	[dreg:$0x0] =	wrdreg $0xFFFFFFFF;
	(pc) =	sbr.abs _section_cstart, $3  }
0xc7: {  	[dreg:$0x1] =	wrdreg $0xFFFFFFFF  }
0xc8: {  	_ =	task.clear_ibuf [dreg:s8], $0x2FFFF;
	_ =	strace $0x9FFFFFFF  }
0xc9: {  	(tm) =	ssettm $0x7FFFFFFF  }
tec
execute0_lowered:
.L_overlay_start_1:
0x0: {  	(tag) =	ssettag $0x1  }
0x1: {  	s1 =	rddreg [dreg:$0x0]  }
0x2: {  	s2 =	rddreg [dreg:$0x1]  }
0x3: {  	s3 =	rddreg [dreg:$0x2]  }
0x4: {  	s4 =	srdreg.scid;
	s0 =	rddreg [dreg:$0x3]  }
0x5: {  	s5 =	simm.s32 $0x0;
	s9 =	simm.s32 $0x5;
	s10 =	simm.s32 $0x4  }
.Ltmp0:
0x6: {  	s11 =	simm.s32 $0x0;
	s6 =	sand.u32 $0x1, s4;
	(pc) =	sbr.rel .LBB2_1-.Ltmp0, $4  }
0x7: {  	s4 =	stileid.u32;
	s7 =	ssub.s32 $0x2, s6;
	s6 =	sshll.u32 s6, $0x4  }
0x8: {  	v2 =	vlaneseq.u32;
	[smem:$0x7FF] =	sst s5;
	s8 =	sshrl.u32 s7, $0x1;
	s6 =	sor.u32 s4, s6  }
0x9: {  	vm0 =	vmmov $0xffff;
	v1 =	vshrl.u32 v2, $0x3;
	_ =	strace $0x80000047;
	s8 =	ssub.s32 s7, s8;
	s31 =	sshll.u32 s6, $0x5  }
0xa: {  	v0 =	vand.u32 $0x7, v2;
	v2 =	vor.u32 $0x8, v2;
	v1 =	vmul.u32 $0x8, v1;
	s6 =	sshll.u32 s6, $0x1;
	s7 =	sadd.s32 s2, s31;
	s8 =	smax.u32 s8, $0x1  }
.LBB2_4:
0xb: {  	s12 =	sand.u32 $0x1, s12  }
0xc: {  	_ =	strace $0x8000004D;
	s12 =	sadd.s32 $0x3, s12  }
0xd: {  	_ =	swait.ge [sflag:s12], $0x8000  }
0xe: {  	[sflag:s12] =	ssyncset.done $0x0  }
0xf: {  	s11 =	sadd.s32 $0x1, s11;
	[sflag:s12] =	ssyncadd.s32 $0xFFFF8000  }
0x10: {  	p0 =	sne.s32 s11, s8;
	_ =	strace $0x9000004D  }
.Ltmp1:
0x11: {  	_ =	strace $0x8000004E;
	(pc) =	sbr.rel @!p0 .LBB2_5-.Ltmp1, $4  }
0x12: {  	_ =	swait.ge [sflag:s10], $0x8000  }
0x13: {  	[sflag:s10] =	ssyncset.done $0x0  }
0x14: {  	[sflag:s10] =	ssyncadd.s32 $0xFFFF8000  }
0x15: {  	_ =	strace $0x9000004E  }
.LBB2_1:
0x16: {  	_ =	strace $0x80000048  }
0x17: {  	p0 =	por $0x1, $0x1;
	p2 =	por $0x0, $0x0;
	s13 =	simm.s32 $0x0  }
0x18: {  	s12 =	simm.s32 $0x0;
	s17 =	simm.s32 $0x0;
	s14 =	simm.s32 $0x0  }
0x19: {  	[tilespmem:s5], [sflag:$0x1] =	stream.linear.gather [hbm4b:s7+s5], $0x80, $0x200038;
	[tilespmem:$0x10100] =	vst v63  }
0x1a: {  	s15 =	simm.s32 $0x1;
	s16 =	simm.s32 $0x0;
	_ =	strace $0x90000048  }
.LBB2_2:
0x1b: {  	s18 =	smov.u32 s13;
	s13 =	sadd.s32 $0x1, s13  }
0x1c: {  	p1 =	seq.s32 s13, $0x2  }
0x1d: {  	s13 =	simm.s32 @p1 $0x0  }
0x1e: {  	p1 =	sne.s32 s18, s13  }
0x1f: {  	p1 =	por !p0, !p1  }
0x20: {  	p1 =	por !p1, !p1  }
0x21: {  	s19 =	sadd.s32 @p1 s6, s13  }
0x22: {  	s20 =	sand.u32 @p1 $0x1, s15;
	s19 =	sshll.u32 @p1 s19, $0x4  }
0x23: {  	_ =	strace @p1 $0x80000049;
	s22 =	simm.s32 @p1 $0x0;
	s19 =	sand.u32 @p1 $0x1FFFFFF0, s19  }
0x24: {  	s21 =	sshll.u32 @p1 s20, $0x7;
	s20 =	sadd.s32 @p1 $0x1, s20;
	s19 =	sadd.s32 @p1 s2, s19  }
0x25: {  	[tilespmem:s21], [sflag:s20] =	stream.linear.gather @p1 [hbm4b:s19+s22], $0x80, $0x200038;
	[tilespmem:$0x10100] =	vst v63  }
0x26: {  	s23 =	sand.u32 $0x1, s14;
	_ =	strace @p1 $0x90000049  }
0x27: {  	s19 =	sadd.s32 $0x1, s23;
	_ =	strace $0x8000004A  }
0x28: {  	_ =	swait.ge [sflag:s19], $0x80  }
0x29: {  	[sflag:s19] =	ssyncset.done $0x0  }
0x2a: {  	[sflag:s19] =	ssyncadd.s32 $0xFFFFFF80  }
0x2b: {  	s24 =	sshll.u32 s14, $0x7;
	_ =	strace $0x9000004A  }
0x2c: {  	s22 =	sand.u32 $0x80, s24;
	_ =	strace $0x8000004B  }
0x2d: {  	v3 =	vld [tilespmem:s22+$0x0];
	_ =	sdelay $0x4  }
0x2e: {  	v4 =	vshll.u32 v3, $0x1  }
0x2f: {  	v3 =	vand.u32 $0x7, v3;
	v4 =	vand.u32 $0xFFFFFFF0, v4  }
0x30: {  	v3 =	vor.u32 v3, v4  }
0x31: {  	v4 =	vperm.xlane v3, v0;
	_ =	sdelay $0x1  }
0x32: {  	v3 =	vperm.xlane v3, v2;
	v4 =	vadd.s32 v1, v4;
	_ =	sdelay $0x1  }
0x33: {  	s19 =	sand.u32 $0x1, s17;
	v3 =	vadd.s32 v1, v3  }
0x34: {  	s21 =	sshll.u32 s19, $0xF  }
0x35: {  	s20 =	sor.u32 $0x100, s21  }
0x36: {  	[tilespmem:s20], [sflag:$0x5] =	stream.indirect_vreg.gather [hbm4b:s1+s5], $0x80, v4, vm0, $0x2000b8;
	[tilespmem:$0x10100] =	vst v63  }
0x37: {  	s23 =	sor.u32 $0x900, s21  }
0x38: {  	[tilespmem:s23], [sflag:$0x5] =	stream.indirect_vreg.gather [hbm4b:s1+s5], $0x80, v3, vm0, $0x2000b8;
	[tilespmem:$0x10100] =	vst v63  }
0x39: {  	v3 =	vld [tilespmem:s22+$0x10];
	_ =	sdelay $0x4  }
0x3a: {  	v57 =	vshll.u32 v3, $0x1  }
0x3b: {  	v3 =	vand.u32 $0x7, v3;
	v4 =	vand.u32 $0xFFFFFFF0, v57  }
0x3c: {  	v3 =	vor.u32 v3, v4  }
0x3d: {  	v4 =	vperm.xlane v3, v0;
	_ =	sdelay $0x1  }
0x3e: {  	v3 =	vperm.xlane v3, v2;
	v4 =	vadd.s32 v1, v4;
	_ =	sdelay $0x1  }
0x3f: {  	v3 =	vadd.s32 v1, v3;
	_ =	sdelay $0x1  }
0x40: {  	s25 =	sor.u32 $0x1100, s21  }
0x41: {  	[tilespmem:s25], [sflag:$0x5] =	stream.indirect_vreg.gather [hbm4b:s1+s5], $0x80, v4, vm0, $0x2000b8;
	[tilespmem:$0x10100] =	vst v63  }
0x42: {  	s26 =	sor.u32 $0x1900, s21  }
0x43: {  	[tilespmem:s26], [sflag:$0x5] =	stream.indirect_vreg.gather [hbm4b:s1+s5], $0x80, v3, vm0, $0x2000b8;
	[tilespmem:$0x10100] =	vst v63  }
0x44: {  	v3 =	vld [tilespmem:s22+$0x20];
	_ =	sdelay $0x4  }
0x45: {  	v58 =	vshll.u32 v3, $0x1  }
0x46: {  	v3 =	vand.u32 $0x7, v3;
	v4 =	vand.u32 $0xFFFFFFF0, v58  }
0x47: {  	v3 =	vor.u32 v3, v4  }
0x48: {  	v4 =	vperm.xlane v3, v0;
	_ =	sdelay $0x1  }
0x49: {  	v3 =	vperm.xlane v3, v2;
	v4 =	vadd.s32 v1, v4;
	_ =	sdelay $0x1  }
0x4a: {  	v3 =	vadd.s32 v1, v3;
	_ =	sdelay $0x1  }
0x4b: {  	s28 =	sor.u32 $0x2100, s21  }
0x4c: {  	[tilespmem:s28], [sflag:$0x5] =	stream.indirect_vreg.gather [hbm4b:s1+s5], $0x80, v4, vm0, $0x2000b8;
	[tilespmem:$0x10100] =	vst v63  }
0x4d: {  	s29 =	sor.u32 $0x2900, s21  }
0x4e: {  	[tilespmem:s29], [sflag:$0x5] =	stream.indirect_vreg.gather [hbm4b:s1+s5], $0x80, v3, vm0, $0x2000b8;
	[tilespmem:$0x10100] =	vst v63  }
0x4f: {  	v3 =	vld [tilespmem:s22+$0x30];
	_ =	sdelay $0x4  }
0x50: {  	v59 =	vshll.u32 v3, $0x1  }
0x51: {  	v3 =	vand.u32 $0x7, v3;
	v4 =	vand.u32 $0xFFFFFFF0, v59  }
0x52: {  	v3 =	vor.u32 v3, v4  }
0x53: {  	v4 =	vperm.xlane v3, v0;
	_ =	sdelay $0x1  }
0x54: {  	v3 =	vperm.xlane v3, v2;
	v4 =	vadd.s32 v1, v4;
	_ =	sdelay $0x1  }
0x55: {  	v3 =	vadd.s32 v1, v3;
	_ =	sdelay $0x1  }
0x56: {  	s30 =	sor.u32 $0x3100, s21  }
0x57: {  	[tilespmem:s30], [sflag:$0x5] =	stream.indirect_vreg.gather [hbm4b:s1+s5], $0x80, v4, vm0, $0x2000b8;
	[tilespmem:$0x10100] =	vst v63  }
0x58: {  	s31 =	sor.u32 $0x3900, s21  }
0x59: {  	[tilespmem:s31], [sflag:$0x5] =	stream.indirect_vreg.gather [hbm4b:s1+s5], $0x80, v3, vm0, $0x2000b8;
	[tilespmem:$0x10100] =	vst v63  }
0x5a: {  	v3 =	vld [tilespmem:s22+$0x40];
	_ =	sdelay $0x4  }
0x5b: {  	v60 =	vshll.u32 v3, $0x1  }
0x5c: {  	v3 =	vand.u32 $0x7, v3;
	v4 =	vand.u32 $0xFFFFFFF0, v60  }
0x5d: {  	v3 =	vor.u32 v3, v4  }
0x5e: {  	v4 =	vperm.xlane v3, v0;
	_ =	sdelay $0x1  }
0x5f: {  	v3 =	vperm.xlane v3, v2;
	v4 =	vadd.s32 v1, v4;
	_ =	sdelay $0x1  }
0x60: {  	v3 =	vadd.s32 v1, v3;
	_ =	sdelay $0x1  }
0x61: {  	s24 =	sor.u32 $0x4100, s21  }
0x62: {  	[tilespmem:s24], [sflag:$0x5] =	stream.indirect_vreg.gather [hbm4b:s1+s5], $0x80, v4, vm0, $0x2000b8;
	[tilespmem:$0x10100] =	vst v63  }
0x63: {  	s25 =	sor.u32 $0x4900, s21  }
0x64: {  	[tilespmem:s25], [sflag:$0x5] =	stream.indirect_vreg.gather [hbm4b:s1+s5], $0x80, v3, vm0, $0x2000b8;
	[tilespmem:$0x10100] =	vst v63  }
0x65: {  	v3 =	vld [tilespmem:s22+$0x50];
	_ =	sdelay $0x4  }
0x66: {  	v61 =	vshll.u32 v3, $0x1  }
0x67: {  	v3 =	vand.u32 $0x7, v3;
	v4 =	vand.u32 $0xFFFFFFF0, v61  }
0x68: {  	v3 =	vor.u32 v3, v4  }
0x69: {  	v4 =	vperm.xlane v3, v0;
	_ =	sdelay $0x1  }
0x6a: {  	v3 =	vperm.xlane v3, v2;
	v4 =	vadd.s32 v1, v4;
	_ =	sdelay $0x1  }
0x6b: {  	v3 =	vadd.s32 v1, v3;
	_ =	sdelay $0x1  }
0x6c: {  	s26 =	sor.u32 $0x5100, s21  }
0x6d: {  	[tilespmem:s26], [sflag:$0x5] =	stream.indirect_vreg.gather [hbm4b:s1+s5], $0x80, v4, vm0, $0x2000b8;
	[tilespmem:$0x10100] =	vst v63  }
0x6e: {  	s28 =	sor.u32 $0x5900, s21  }
0x6f: {  	[tilespmem:s28], [sflag:$0x5] =	stream.indirect_vreg.gather [hbm4b:s1+s5], $0x80, v3, vm0, $0x2000b8;
	[tilespmem:$0x10100] =	vst v63  }
0x70: {  	v3 =	vld [tilespmem:s22+$0x60];
	_ =	sdelay $0x4  }
0x71: {  	v62 =	vshll.u32 v3, $0x1  }
0x72: {  	v3 =	vand.u32 $0x7, v3;
	v4 =	vand.u32 $0xFFFFFFF0, v62  }
0x73: {  	v3 =	vor.u32 v3, v4  }
0x74: {  	v4 =	vperm.xlane v3, v0;
	_ =	sdelay $0x1  }
0x75: {  	v3 =	vperm.xlane v3, v2;
	v4 =	vadd.s32 v1, v4;
	_ =	sdelay $0x1  }
0x76: {  	v3 =	vadd.s32 v1, v3;
	_ =	sdelay $0x1  }
0x77: {  	s29 =	sor.u32 $0x6100, s21  }
0x78: {  	[tilespmem:s29], [sflag:$0x5] =	stream.indirect_vreg.gather [hbm4b:s1+s5], $0x80, v4, vm0, $0x2000b8;
	[tilespmem:$0x10100] =	vst v63  }
0x79: {  	s30 =	sor.u32 $0x6900, s21  }
0x7a: {  	[tilespmem:s30], [sflag:$0x5] =	stream.indirect_vreg.gather [hbm4b:s1+s5], $0x80, v3, vm0, $0x2000b8;
	[tilespmem:$0x10100] =	vst v63  }
0x7b: {  	v3 =	vld [tilespmem:s22+$0x70];
	_ =	sdelay $0x4  }
0x7c: {  	v63 =	vshll.u32 v3, $0x1  }
0x7d: {  	v3 =	vand.u32 $0x7, v3;
	v4 =	vand.u32 $0xFFFFFFF0, v63  }
0x7e: {  	v3 =	vor.u32 v3, v4  }
0x7f: {  	v4 =	vperm.xlane v3, v0;
	_ =	sdelay $0x1  }
0x80: {  	v3 =	vperm.xlane v3, v2;
	v4 =	vadd.s32 v1, v4;
	_ =	sdelay $0x1  }
0x81: {  	v3 =	vadd.s32 v1, v3;
	_ =	sdelay $0x1  }
0x82: {  	p2 =	por !p2, !p2;
	p3 =	seq.s32 s18, s13;
	s31 =	sor.u32 $0x7100, s21  }
0x83: {  	[tilespmem:s31], [sflag:$0x5] =	stream.indirect_vreg.gather [hbm4b:s1+s5], $0x80, v4, vm0, $0x2000b8;
	[tilespmem:$0x10100] =	vst v63  }
0x84: {  	p2 =	por !p2, !p3;
	s21 =	sor.u32 $0x7900, s21  }
0x85: {  	[tilespmem:s21], [sflag:$0x5] =	stream.indirect_vreg.gather [hbm4b:s1+s5], $0x80, v3, vm0, $0x2000b8;
	[tilespmem:$0x10100] =	vst v63  }
0x86: {  	s18 =	sadd.s32 s6, s18;
	p2 =	por !p2, !p2;
	_ =	swait.ge [sflag:s9], $0x8000  }
0x87: {  	s18 =	sshll.u32 @!p2 s18, $0xC;
	p0 =	por p2, p0;
	[sflag:s9] =	ssyncset.done $0x0  }
.Ltmp2:
0x88: {  	s18 =	sand.u32 @!p2 $0x1FFFF000, s18;
	[sflag:s9] =	ssyncadd.s32 $0xFFFF8000;
	(pc) =	sbr.rel @!p0 .LBB2_4-.Ltmp2, $4  }
0x89: {  	s18 =	sadd.s32 @!p2 s3, s18;
	_ =	strace $0x9000004B  }
0x8a: {  	s19 =	sadd.s32 @!p2 $0x3, s19;
	s21 =	simm.s32 @!p2 $0x0;
	_ =	strace @!p2 $0x8000004C  }
0x8b: {  	[hbm4b:s18+s21] =	stream.linear.scatter @!p2 [tilespmem:s20], [sflag:s19], $0x8000, $0x200038;
	[tilespmem:$0x10100] =	vst v63  }
0x8c: {  	_ =	strace @!p2 $0x9000004C  }
.Ltmp3:
0x8d: {  	s18 =	simm.s32 $0x1;
	(pc) =	sbr.rel .LBB2_2-.Ltmp3, $4  }
0x8e: {  	s19 =	simm.s32 @!p2 $0x1;
	s12 =	sadd.s32 s16, s12;
	s18 =	simm.s32 @!p1 $0x0  }
0x8f: {  	s16 =	simm.s32 $0x1;
	s15 =	sadd.s32 s18, s15;
	s18 =	sadd.s32 @!p2 $0x1, s17  }
0x90: {  	p0 =	por $0x0, $0x0;
	s19 =	simm.s32 @p2 $0x0;
	s18 =	smov.u32 @p2 s17  }
0x91: {  	s14 =	sadd.s32 s14, s19;
	p2 =	por $0x1, $0x1;
	s17 =	smov.u32 s18  }
.LBB2_5:
0x92: {  	_ =	sfence.sel $0x180000  }
0x93: {  	[bflag:$0x0] =	sbarrier.arrive $0xFFFF  }
0x94: {  	p0 =	sne.s32 s4, $0x0;
	_ =	strace $0x90000047  }
0x95: {  	s0 =	sadd.s32 @!p0 $0x100000, s0;
	[bflag:$0x2] =	sbarrier.arrive $0xFFFF  }
0x96: {  	[sflag:s0] =	ssyncadd.tile.s32 @!p0 $0x1;
	_ =	shalt  }
.Lfunc_end2:
_tile_overlayer_lowered:
.L_overlay_start_2:
0x97: {  	(tag) =	ssettag $0x2  }
0x98: {  	s0 =	rddreg [dreg:$0x0];
	s2 =	stileid.u32  }
0x99: {  	s1 =	rddreg [dreg:$0x1];
	p0 =	sne.s32 s2, $0x0  }
0x9a: {  	s3 =	rddreg [dreg:$0x2];
	[bflag:$0x3] =	sbarrier.arrive $0xFFFF;
	s2 =	simm.s32 @!p0 $0x1C01  }
0x9b: {  	[timem:s3], [sflag:s2] =	dma.local @!p0 [hbm:s0], s1  }
0x9c: {  	s0 =	simm.s32 @!p0 $0x1  }
0x9d: {  	_ =	swait.ge @!p0 [sflag:s0], s1  }
0x9e: {  	s1 =	ssub.s32 @!p0 $0x0, s1;
	[sflag:s0] =	ssyncset.done @!p0 $0x0  }
0x9f: {  	[sflag:s0] =	ssyncadd.s32 @!p0 s1  }
0xa0: {  	[bflag:$0x3] =	sbarrier.arrive $0xFFFF  }
0xa1: {  	_ =	shalt  }

</sc_bundles>
